<compile_context>
chip_gen: v7x
topology: tpu7x:2x2x1
jax: 0.10.2.dev20260603
libtpu: 0.0.44.dev20260713+nightly
codegen_flags: <defaults>
</compile_context>

<pallas_src>
import functools

import jax
import jax.numpy as jnp
from jax import lax
from jax.experimental import pallas as pl
from jax.experimental.pallas import tpu as pltpu
from jax.experimental.pallas import tpu_sc as plsc

MIN_NORM = 1e-15
EPS = 1e-5

N_NODES = 10000
D = 128
N_EDGES = 320000
NFC = 16
FPC = D // NFC
NPR = FPC // 2
NC = 2
EPR = N_EDGES // NC
CHUNK = 2000
NG = CHUNK // 16
NCHUNKS = EPR // CHUNK
TBL = N_NODES * NPR
OSTR = 327680


def _tc_norms(z):
    RB = 2000

    def body(z_ref, o_ref, w_ref):
        x = z_ref[...]
        o_ref[...] = jnp.sum(x * x, axis=1, keepdims=True)
        f_ids = lax.broadcasted_iota(jnp.int32, (D, D // 2), 0)
        q_ids = lax.broadcasted_iota(jnp.int32, (D, D // 2), 1)
        s_even = (f_ids == 2 * q_ids).astype(jnp.float32)
        s_odd = (f_ids == 2 * q_ids + 1).astype(jnp.float32)
        lo = jnp.dot(x, s_even).astype(jnp.bfloat16)
        hi = jnp.dot(x, s_odd).astype(jnp.bfloat16)
        ulo = lax.bitcast_convert_type(lo, jnp.uint16).astype(jnp.uint32)
        uhi = lax.bitcast_convert_type(hi, jnp.uint16).astype(jnp.uint32)
        w_ref[...] = (ulo | (uhi << 16)).astype(jnp.int32)

    return pl.pallas_call(
        body,
        grid=(N_NODES // RB,),
        in_specs=[pl.BlockSpec((RB, D), lambda i: (i, 0))],
        out_specs=[
            pl.BlockSpec((RB, 1), lambda i: (i, 0)),
            pl.BlockSpec((RB, D // 2), lambda i: (i, 0)),
        ],
        out_shape=[
            jax.ShapeDtypeStruct((N_NODES, 1), jnp.float32),
            jax.ShapeDtypeStruct((N_NODES, D // 2), jnp.int32),
        ],
    )(z)


def _sc_dots(zt, norms, ei):
    mesh = plsc.VectorSubcoreMesh(core_axis_name="c", subcore_axis_name="s")

    @functools.partial(
        pl.kernel,
        mesh=mesh,
        compiler_params=pltpu.CompilerParams(needs_layout_passes=False),
        out_type=[
            jax.ShapeDtypeStruct((NFC * OSTR,), jnp.float32),
            jax.ShapeDtypeStruct((OSTR,), jnp.float32),
            jax.ShapeDtypeStruct((OSTR,), jnp.float32),
        ],
        scratch_types=[
            pltpu.VMEM((TBL,), jnp.int32),
            pltpu.VMEM((N_NODES,), jnp.float32),
            pltpu.VMEM((CHUNK,), jnp.int32),
            pltpu.VMEM((CHUNK,), jnp.int32),
            pltpu.VMEM((CHUNK,), jnp.int32),
            pltpu.VMEM((CHUNK,), jnp.int32),
            pltpu.VMEM((CHUNK,), jnp.float32),
            pltpu.VMEM((CHUNK,), jnp.float32),
            pltpu.VMEM((CHUNK,), jnp.float32),
            pltpu.VMEM((CHUNK,), jnp.float32),
            pltpu.SemaphoreType.DMA,
            pltpu.SemaphoreType.DMA,
            pltpu.SemaphoreType.DMA,
            pltpu.SemaphoreType.DMA,
            pltpu.SemaphoreType.DMA,
        ],
    )
    def k(zt_hbm, norms_hbm, ei_hbm, s_hbm, n1_hbm, n2_hbm,
          tbl, ntbl, sid0, sid1, did0, did1, sb0, sb1, n1b, n2b,
          sin0, sin1, sout0, sout1, snrm):
        core = lax.axis_index("c")
        fc = lax.axis_index("s")
        pltpu.sync_copy(zt_hbm.at[pl.ds(fc * TBL, TBL)], tbl)
        pltpu.sync_copy(norms_hbm, ntbl)
        base0 = core * EPR
        sids = (sid0, sid1)
        dids = (did0, did1)
        sbs = (sb0, sb1)
        sins = (sin0, sin1)
        souts = (sout0, sout1)

        def in_copies(i, p):
            base = base0 + i * CHUNK
            return (
                pltpu.make_async_copy(
                    ei_hbm.at[pl.ds(base, CHUNK)], sids[p], sins[p]),
                pltpu.make_async_copy(
                    ei_hbm.at[pl.ds(N_EDGES + base, CHUNK)], dids[p], sins[p]),
            )

        def out_copy(i, p):
            obase = fc * OSTR + base0 + i * CHUNK
            return pltpu.make_async_copy(
                sbs[p], s_hbm.at[pl.ds(obase, CHUNK)], souts[p])

        def nrm_copies(i):
            base = base0 + i * CHUNK
            return (
                pltpu.make_async_copy(
                    n1b, n1_hbm.at[pl.ds(base, CHUNK)], snrm),
                pltpu.make_async_copy(
                    n2b, n2_hbm.at[pl.ds(base, CHUNK)], snrm),
            )

        for c in in_copies(0, 0):
            c.start()

        def chunk_body(i, p, has_next):
            base = base0 + i * CHUNK
            sid, did, sb = sids[p], dids[p], sbs[p]

            @pl.when(has_next)
            def _():
                for c in in_copies(i + 1, 1 - p):
                    c.start()

            for c in in_copies(i, p):
                c.wait()

            @pl.when(i >= 2)
            def _():
                out_copy(i - 2, p).wait()

            def grp(g, carry):
                off = g * 16
                si = sid[pl.ds(off, 16)]
                di = did[pl.ds(off, 16)]
                ss = jnp.zeros((16,), jnp.float32)
                for prow in range(NPR):
                    pv = jnp.full((16,), prow * N_NODES, jnp.int32)
                    wa = plsc.load_gather(tbl, [si + pv])
                    wb = plsc.load_gather(tbl, [di + pv])
                    a0, a1 = plsc.unpack(
                        plsc.bitcast(wa, jnp.bfloat16),
                        format=plsc.PackFormat.INTERLEAVED)
                    b0, b1 = plsc.unpack(
                        plsc.bitcast(wb, jnp.bfloat16),
                        format=plsc.PackFormat.INTERLEAVED)
                    ss = ss + (a0 * b0 + a1 * b1)
                sb[pl.ds(off, 16)] = ss
                return carry

            lax.fori_loop(0, NG, grp, 0, unroll=5)
            out_copy(i, p).start()

            @pl.when(lax.rem(i, NFC) == fc)
            def _():
                @pl.when(i >= NFC)
                def _():
                    for c in nrm_copies(i - NFC):
                        c.wait()

                def ngrp(g, carry):
                    off = g * 16
                    si = sid[pl.ds(off, 16)]
                    di = did[pl.ds(off, 16)]
                    n1b[pl.ds(off, 16)] = plsc.load_gather(ntbl, [si])
                    n2b[pl.ds(off, 16)] = plsc.load_gather(ntbl, [di])
                    return carry

                lax.fori_loop(0, NG, ngrp, 0, unroll=5)
                for c in nrm_copies(i):
                    c.start()

        def pair(j, carry):
            i0 = j * 2
            chunk_body(i0, 0, jnp.bool_(True))
            chunk_body(i0 + 1, 1, i0 + 2 < NCHUNKS)
            return carry

        lax.fori_loop(0, NCHUNKS // 2, pair, 0)
        out_copy(NCHUNKS - 2, 0).wait()
        out_copy(NCHUNKS - 1, 1).wait()
        for c in nrm_copies(NCHUNKS - NFC + fc):
            c.wait()

    return k(zt, norms, ei)


def _tc_finish(sp, n1, n2):
    EB = 16384
    NB = OSTR // EB

    def body(*refs):
        s_refs = refs[:NFC]
        n1_ref, n2_ref, o_ref = refs[NFC], refs[NFC + 1], refs[NFC + 2]
        x2 = n1_ref[...]
        y2 = n2_ref[...]
        s = s_refs[0][...]
        for r in s_refs[1:]:
            s = s + r[...]
        a = 1.0 - 2.0 * s + y2
        b = 1.0 - x2
        numsq = a * a * x2 - 2.0 * a * b * s + b * b * y2
        den = jnp.maximum(1.0 - 2.0 * s + x2 * y2, MIN_NORM)
        r = numsq / (den * den)
        norm = jnp.sqrt(jnp.maximum(r, MIN_NORM))
        t = jnp.clip(norm, -1.0 + EPS, 1.0 - EPS)
        dist = jnp.log1p(t) - jnp.log1p(-t)
        o_ref[...] = -(dist * dist)

    in_specs = [
        pl.BlockSpec((EB,), functools.partial(lambda fc, i: (fc * NB + i,), fc))
        for fc in range(NFC)
    ]
    in_specs += [pl.BlockSpec((EB,), lambda i: (i,))] * 2
    out = pl.pallas_call(
        body,
        grid=(NB,),
        in_specs=in_specs,
        out_specs=pl.BlockSpec((EB,), lambda i: (i,)),
        out_shape=jax.ShapeDtypeStruct((OSTR,), jnp.float32),
    )(*([sp] * NFC), n1, n2)
    return out[:N_EDGES]


def kernel(z, edge_index):
    norms, w = _tc_norms(z)
    zt = w.T.reshape(-1)
    sp, n1, n2 = _sc_dots(zt, norms.reshape(-1), edge_index.reshape(-1))
    return _tc_finish(sp, n1, n2)

# --- scband reference (transcript-rebuilt; emitter-appended) ---
"""Pipeline reference for scband-hyperbolic-decoder-4741643895115 (READ-ONLY COPY).

The authoritative reference and input builder live on the scoring server;
editing this copy changes nothing except your own understanding.
"""

import jax, jax.numpy as jnp
import numpy as np

C = 1.0
MIN_NORM = 1e-15
EPS = 1e-5


def _mobius_add(x, y, c):
    x2 = jnp.sum(x * x, axis=-1, keepdims=True)
    y2 = jnp.sum(y * y, axis=-1, keepdims=True)
    xy = jnp.sum(x * y, axis=-1, keepdims=True)
    num = (1.0 + 2.0 * c * xy + c * y2) * x + (1.0 - c * x2) * y
    denom = 1.0 + 2.0 * c * xy + (c ** 2) * x2 * y2
    return num / jnp.maximum(denom, MIN_NORM)


def _artanh(x):
    x = jnp.clip(x, -1.0 + EPS, 1.0 - EPS)
    return 0.5 * (jnp.log1p(x) - jnp.log1p(-x))


def _sqdist(p1, p2, c):
    sqrt_c = c ** 0.5
    ma = _mobius_add(-p1, p2, c)
    norm = jnp.sqrt(jnp.maximum(jnp.sum(ma * ma, axis=-1), MIN_NORM))
    dist = (2.0 / sqrt_c) * _artanh(sqrt_c * norm)
    return dist ** 2


def setup_inputs(seed: int = 0) -> dict:
    key = jax.random.key(seed)
    k1, k2 = jax.random.split(key)
    z = jax.random.normal(k1, (10000, 128), dtype=jnp.float32)
    edge_index = jax.random.randint(k2, (2, 320000), 0, 10000, dtype=jnp.int32)
    return {"z": z, "edge_index": edge_index}


def reference(z, edge_index):
    emb_in = z[edge_index[0]]
    emb_out = z[edge_index[1]]
    sqdist = _sqdist(emb_in, emb_out, C)
    return -sqdist

if __name__ == "__main__":
    import jax
    _d = setup_inputs()
    print(jax.jit(kernel)(*tuple(_d.values())))

</pallas_src>

<mosaic_0001>
#map = affine_map<(d0, d1) -> (0)>
module attributes {stable_mosaic.version = 14 : i64} {
  func.func @k(%arg0: i32, %arg1: i32, %arg2: memref<640000xi32, #tpu.memory_space<hbm>>, %arg3: memref<10000xf32, #tpu.memory_space<hbm>>, %arg4: memref<640000xi32, #tpu.memory_space<hbm>>, %arg5: memref<5242880xf32, #tpu.memory_space<hbm>>, %arg6: memref<327680xf32, #tpu.memory_space<hbm>>, %arg7: memref<327680xf32, #tpu.memory_space<hbm>>, %arg8: memref<40000xi32, #tpu.memory_space<vmem>>, %arg9: memref<10000xf32, #tpu.memory_space<vmem>>, %arg10: memref<2000xi32, #tpu.memory_space<vmem>>, %arg11: memref<2000xi32, #tpu.memory_space<vmem>>, %arg12: memref<2000xi32, #tpu.memory_space<vmem>>, %arg13: memref<2000xi32, #tpu.memory_space<vmem>>, %arg14: memref<2000xf32, #tpu.memory_space<vmem>>, %arg15: memref<2000xf32, #tpu.memory_space<vmem>>, %arg16: memref<2000xf32, #tpu.memory_space<vmem>>, %arg17: memref<2000xf32, #tpu.memory_space<vmem>>, %arg18: memref<!tpu.dma_semaphore, #tpu.memory_space<semaphore_mem>>, %arg19: memref<!tpu.dma_semaphore, #tpu.memory_space<semaphore_mem>>, %arg20: memref<!tpu.dma_semaphore, #tpu.memory_space<semaphore_mem>>, %arg21: memref<!tpu.dma_semaphore, #tpu.memory_space<semaphore_mem>>, %arg22: memref<!tpu.dma_semaphore, #tpu.memory_space<semaphore_mem>>) attributes {dimension_semantics = [#tpu.dimension_semantics<core_parallel>, #tpu.dimension_semantics<subcore_parallel>], iteration_bounds = array<i64: 2, 16>, scalar_prefetch = 0 : i64, scratch_operands = 15 : i64, tpu.core_type = #tpu.core_type<sc_vector_subcore>, window_params = [{transform_indices = #map}, {transform_indices = #map}, {transform_indices = #map}, {transform_indices = #map}, {transform_indices = #map}, {transform_indices = #map}]} {
    %mul3A = arith.constant 40000 : i32
    %mul3A_0 = arith.muli %arg1, %mul3A : i32
    "tpu.region"() ({
      %run_scoped3A = tpu.sem_alloc : memref<!tpu.dma_semaphore, #tpu.memory_space<semaphore_mem>>
      %dma_start3A_36 = tpu.memref_slice %arg2[%mul3A_0] : memref<640000xi32, #tpu.memory_space<hbm>> -> memref<40000xi32, #tpu.memory_space<hbm>>
      %dma_start3A_37 = tpu.memref_slice %arg2[%mul3A_0] : memref<640000xi32, #tpu.memory_space<hbm>> -> memref<40000xi32, #tpu.memory_space<hbm>>
      tpu.enqueue_dma source(%dma_start3A_37 : memref<40000xi32, #tpu.memory_space<hbm>>) target(%arg8 : memref<40000xi32, #tpu.memory_space<vmem>>) target_semaphore(%run_scoped3A : memref<!tpu.dma_semaphore, #tpu.memory_space<semaphore_mem>>)
      %dma_wait3A_38 = tpu.memref_slice %arg2[%mul3A_0] : memref<640000xi32, #tpu.memory_space<hbm>> -> memref<40000xi32, #tpu.memory_space<hbm>>
      %dma_wait3A_39 = tpu.memref_slice %arg2[%mul3A_0] : memref<640000xi32, #tpu.memory_space<hbm>> -> memref<40000xi32, #tpu.memory_space<hbm>>
      tpu.wait_dma2 semaphore(%run_scoped3A : memref<!tpu.dma_semaphore, #tpu.memory_space<semaphore_mem>>) src(%dma_wait3A_39 : memref<40000xi32, #tpu.memory_space<hbm>>) dst(%arg8 : memref<40000xi32, #tpu.memory_space<vmem>>)
      tpu.yield
    }) : () -> ()
    "tpu.region"() ({
      %run_scoped3A = tpu.sem_alloc : memref<!tpu.dma_semaphore, #tpu.memory_space<semaphore_mem>>
      tpu.enqueue_dma source(%arg3 : memref<10000xf32, #tpu.memory_space<hbm>>) target(%arg9 : memref<10000xf32, #tpu.memory_space<vmem>>) target_semaphore(%run_scoped3A : memref<!tpu.dma_semaphore, #tpu.memory_space<semaphore_mem>>)
      tpu.wait_dma2 semaphore(%run_scoped3A : memref<!tpu.dma_semaphore, #tpu.memory_space<semaphore_mem>>) src(%arg3 : memref<10000xf32, #tpu.memory_space<hbm>>) dst(%arg9 : memref<10000xf32, #tpu.memory_space<vmem>>)
      tpu.yield
    }) : () -> ()
    %mul3A_1 = arith.constant 160000 : i32
    %mul3A_2 = arith.muli %arg0, %mul3A_1 : i32
    %add3A = arith.constant 0 : i32
    %add3A_3 = arith.addi %mul3A_2, %add3A : i32
    %add3A_4 = arith.constant 320000 : i32
    %add3A_5 = arith.addi %add3A_4, %add3A_3 : i32
    %dma_start3A = tpu.memref_slice %arg4[%add3A_3] : memref<640000xi32, #tpu.memory_space<hbm>> -> memref<2000xi32, #tpu.memory_space<hbm>>
    %dma_start3A_6 = tpu.memref_slice %arg4[%add3A_3] : memref<640000xi32, #tpu.memory_space<hbm>> -> memref<2000xi32, #tpu.memory_space<hbm>>
    tpu.enqueue_dma source(%dma_start3A_6 : memref<2000xi32, #tpu.memory_space<hbm>>) target(%arg10 : memref<2000xi32, #tpu.memory_space<vmem>>) target_semaphore(%arg18 : memref<!tpu.dma_semaphore, #tpu.memory_space<semaphore_mem>>)
    %dma_start3A_7 = tpu.memref_slice %arg4[%add3A_5] : memref<640000xi32, #tpu.memory_space<hbm>> -> memref<2000xi32, #tpu.memory_space<hbm>>
    %dma_start3A_8 = tpu.memref_slice %arg4[%add3A_5] : memref<640000xi32, #tpu.memory_space<hbm>> -> memref<2000xi32, #tpu.memory_space<hbm>>
    tpu.enqueue_dma source(%dma_start3A_8 : memref<2000xi32, #tpu.memory_space<hbm>>) target(%arg12 : memref<2000xi32, #tpu.memory_space<vmem>>) target_semaphore(%arg18 : memref<!tpu.dma_semaphore, #tpu.memory_space<semaphore_mem>>)
    %scan3A = arith.constant 0 : i32
    %scan3A_9 = arith.constant 0 : i32
    %scan3A_10 = arith.constant 40 : i32
    %scan3A_11 = arith.addi %scan3A_9, %scan3A_10 : i32
    %scan3A_12 = arith.constant 1 : i32
    scf.for %scan3A_36 = %scan3A_9 to %scan3A_11 step %scan3A_12  : i32 {
      %mul3A_37 = arith.constant 2 : i32
      %mul3A_38 = arith.muli %scan3A_36, %mul3A_37 : i32
      %mul3A_39 = arith.constant 2000 : i32
      %mul3A_40 = arith.muli %mul3A_38, %mul3A_39 : i32
      %add3A_41 = arith.addi %mul3A_2, %mul3A_40 : i32
      %cond3A = arith.constant 1 : i32
      %add3A_42 = arith.constant 1 : i32
      %add3A_43 = arith.addi %mul3A_38, %add3A_42 : i32
      %mul3A_44 = arith.constant 2000 : i32
      %mul3A_45 = arith.muli %add3A_43, %mul3A_44 : i32
      %add3A_46 = arith.addi %mul3A_2, %mul3A_45 : i32
      %add3A_47 = arith.constant 320000 : i32
      %add3A_48 = arith.addi %add3A_47, %add3A_46 : i32
      %dma_start3A_49 = tpu.memref_slice %arg4[%add3A_46] : memref<640000xi32, #tpu.memory_space<hbm>> -> memref<2000xi32, #tpu.memory_space<hbm>>
      %dma_start3A_50 = tpu.memref_slice %arg4[%add3A_46] : memref<640000xi32, #tpu.memory_space<hbm>> -> memref<2000xi32, #tpu.memory_space<hbm>>
      tpu.enqueue_dma source(%dma_start3A_50 : memref<2000xi32, #tpu.memory_space<hbm>>) target(%arg11 : memref<2000xi32, #tpu.memory_space<vmem>>) target_semaphore(%arg19 : memref<!tpu.dma_semaphore, #tpu.memory_space<semaphore_mem>>)
      %dma_start3A_51 = tpu.memref_slice %arg4[%add3A_48] : memref<640000xi32, #tpu.memory_space<hbm>> -> memref<2000xi32, #tpu.memory_space<hbm>>
      %dma_start3A_52 = tpu.memref_slice %arg4[%add3A_48] : memref<640000xi32, #tpu.memory_space<hbm>> -> memref<2000xi32, #tpu.memory_space<hbm>>
      tpu.enqueue_dma source(%dma_start3A_52 : memref<2000xi32, #tpu.memory_space<hbm>>) target(%arg13 : memref<2000xi32, #tpu.memory_space<vmem>>) target_semaphore(%arg19 : memref<!tpu.dma_semaphore, #tpu.memory_space<semaphore_mem>>)
      %mul3A_53 = arith.constant 2000 : i32
      %mul3A_54 = arith.muli %mul3A_38, %mul3A_53 : i32
      %add3A_55 = arith.addi %mul3A_2, %mul3A_54 : i32
      %add3A_56 = arith.constant 320000 : i32
      %add3A_57 = arith.addi %add3A_56, %add3A_55 : i32
      %dma_wait3A_58 = tpu.memref_slice %arg4[%add3A_55] : memref<640000xi32, #tpu.memory_space<hbm>> -> memref<2000xi32, #tpu.memory_space<hbm>>
      %dma_wait3A_59 = tpu.memref_slice %arg4[%add3A_55] : memref<640000xi32, #tpu.memory_space<hbm>> -> memref<2000xi32, #tpu.memory_space<hbm>>
      tpu.wait_dma2 semaphore(%arg18 : memref<!tpu.dma_semaphore, #tpu.memory_space<semaphore_mem>>) src(%dma_wait3A_59 : memref<2000xi32, #tpu.memory_space<hbm>>) dst(%arg10 : memref<2000xi32, #tpu.memory_space<vmem>>)
      %dma_wait3A_60 = tpu.memref_slice %arg4[%add3A_57] : memref<640000xi32, #tpu.memory_space<hbm>> -> memref<2000xi32, #tpu.memory_space<hbm>>
      %dma_wait3A_61 = tpu.memref_slice %arg4[%add3A_57] : memref<640000xi32, #tpu.memory_space<hbm>> -> memref<2000xi32, #tpu.memory_space<hbm>>
      tpu.wait_dma2 semaphore(%arg18 : memref<!tpu.dma_semaphore, #tpu.memory_space<semaphore_mem>>) src(%dma_wait3A_61 : memref<2000xi32, #tpu.memory_space<hbm>>) dst(%arg12 : memref<2000xi32, #tpu.memory_space<vmem>>)
      %ge3A = arith.constant 2 : i32
      %ge3A_62 = arith.cmpi sge, %mul3A_38, %ge3A : i32
      %convert_element_type3A = arith.extui %ge3A_62 : i1 to i32
      %cond3A_63 = arith.constant 0 : i32
      %cond3A_64 = arith.cmpi ne, %convert_element_type3A, %cond3A_63 : i32
      scf.if %cond3A_64 {
        %sub3A = arith.constant 2 : i32
        %sub3A_128 = arith.subi %mul3A_38, %sub3A : i32
        %mul3A_129 = arith.constant 327680 : i32
        %mul3A_130 = arith.muli %arg1, %mul3A_129 : i32
        %add3A_131 = arith.addi %mul3A_130, %mul3A_2 : i32
        %mul3A_132 = arith.constant 2000 : i32
        %mul3A_133 = arith.muli %sub3A_128, %mul3A_132 : i32
        %add3A_134 = arith.addi %add3A_131, %mul3A_133 : i32
        %dma_wait3A_135 = tpu.memref_slice %arg5[%add3A_134] : memref<5242880xf32, #tpu.memory_space<hbm>> -> memref<2000xf32, #tpu.memory_space<hbm>>
        %dma_wait3A_136 = tpu.memref_slice %arg5[%add3A_134] : memref<5242880xf32, #tpu.memory_space<hbm>> -> memref<2000xf32, #tpu.memory_space<hbm>>
        tpu.wait_dma2 semaphore(%arg20 : memref<!tpu.dma_semaphore, #tpu.memory_space<semaphore_mem>>) src(%arg14 : memref<2000xf32, #tpu.memory_space<vmem>>) dst(%dma_wait3A_136 : memref<2000xf32, #tpu.memory_space<hbm>>)
      } else {
      }
      %scan3A_65 = arith.constant 0 : i32
      %scan3A_66 = arith.constant 0 : i32
      %scan3A_67 = arith.constant 125 : i32
      %scan3A_68 = arith.addi %scan3A_66, %scan3A_67 : i32
      %scan3A_69 = arith.constant 5 : i32
      scf.for %scan3A_128 = %scan3A_66 to %scan3A_68 step %scan3A_69  : i32 {
        %mul3A_129 = arith.constant 16 : i32
        %mul3A_130 = arith.muli %scan3A_128, %mul3A_129 : i32
        %get3A = arith.index_cast %mul3A_130 : i32 to index
        %get3A_131 = tpu.vector_load %arg10[%get3A] {strides = array<i32>} : memref<2000xi32, #tpu.memory_space<vmem>>, vector<16xi32>,
        %get3A_132 = arith.index_cast %mul3A_130 : i32 to index
        %get3A_133 = tpu.vector_load %arg12[%get3A_132] {strides = array<i32>} : memref<2000xi32, #tpu.memory_space<vmem>>, vector<16xi32>,
        %broadcast_in_dim3A = arith.constant 0.000000e+00 : f32
        %broadcast_in_dim3A_134 = vector.broadcast %broadcast_in_dim3A : f32 to vector<16xf32>
        %broadcast_in_dim3A_135 = arith.constant 0 : i32
        %broadcast_in_dim3A_136 = vector.broadcast %broadcast_in_dim3A_135 : i32 to vector<16xi32>
        %add3A_137 = arith.addi %get3A_131, %broadcast_in_dim3A_136 : vector<16xi32>
        %gather3A = tpu.vector_load_idx %arg8[%add3A_137] : memref<40000xi32, #tpu.memory_space<vmem>>[vector<16xi32>], vector<16xi32>,
        %add3A_138 = arith.addi %get3A_133, %broadcast_in_dim3A_136 : vector<16xi32>
        %gather3A_139 = tpu.vector_load_idx %arg8[%add3A_138] : memref<40000xi32, #tpu.memory_space<vmem>>[vector<16xi32>], vector<16xi32>,
        %bitcast3A = vector.bitcast %gather3A : vector<16xi32> to vector<32xbf16>
        %unpack3A = tpu.unpack_subelements %bitcast3A, 0 {pack_format = #tpu.pack_format<interleaved>} : vector<32xbf16> -> vector<16xf32>
        %unpack3A_140 = tpu.unpack_subelements %bitcast3A, 1 {pack_format = #tpu.pack_format<interleaved>} : vector<32xbf16> -> vector<16xf32>
        %bitcast3A_141 = vector.bitcast %gather3A_139 : vector<16xi32> to vector<32xbf16>
        %unpack3A_142 = tpu.unpack_subelements %bitcast3A_141, 0 {pack_format = #tpu.pack_format<interleaved>} : vector<32xbf16> -> vector<16xf32>
        %unpack3A_143 = tpu.unpack_subelements %bitcast3A_141, 1 {pack_format = #tpu.pack_format<interleaved>} : vector<32xbf16> -> vector<16xf32>
        %mul3A_144 = arith.mulf %unpack3A, %unpack3A_142 : vector<16xf32>
        %mul3A_145 = arith.mulf %unpack3A_140, %unpack3A_143 : vector<16xf32>
        %add3A_146 = arith.addf %mul3A_144, %mul3A_145 : vector<16xf32>
        %add3A_147 = arith.addf %broadcast_in_dim3A_134, %add3A_146 : vector<16xf32>
        %broadcast_in_dim3A_148 = arith.constant 10000 : i32
        %broadcast_in_dim3A_149 = vector.broadcast %broadcast_in_dim3A_148 : i32 to vector<16xi32>
        %add3A_150 = arith.addi %get3A_131, %broadcast_in_dim3A_149 : vector<16xi32>
        %gather3A_151 = tpu.vector_load_idx %arg8[%add3A_150] : memref<40000xi32, #tpu.memory_space<vmem>>[vector<16xi32>], vector<16xi32>,
        %add3A_152 = arith.addi %get3A_133, %broadcast_in_dim3A_149 : vector<16xi32>
        %gather3A_153 = tpu.vector_load_idx %arg8[%add3A_152] : memref<40000xi32, #tpu.memory_space<vmem>>[vector<16xi32>], vector<16xi32>,
        %bitcast3A_154 = vector.bitcast %gather3A_151 : vector<16xi32> to vector<32xbf16>
        %unpack3A_155 = tpu.unpack_subelements %bitcast3A_154, 0 {pack_format = #tpu.pack_format<interleaved>} : vector<32xbf16> -> vector<16xf32>
        %unpack3A_156 = tpu.unpack_subelements %bitcast3A_154, 1 {pack_format = #tpu.pack_format<interleaved>} : vector<32xbf16> -> vector<16xf32>
        %bitcast3A_157 = vector.bitcast %gather3A_153 : vector<16xi32> to vector<32xbf16>
        %unpack3A_158 = tpu.unpack_subelements %bitcast3A_157, 0 {pack_format = #tpu.pack_format<interleaved>} : vector<32xbf16> -> vector<16xf32>
        %unpack3A_159 = tpu.unpack_subelements %bitcast3A_157, 1 {pack_format = #tpu.pack_format<interleaved>} : vector<32xbf16> -> vector<16xf32>
        %mul3A_160 = arith.mulf %unpack3A_155, %unpack3A_158 : vector<16xf32>
        %mul3A_161 = arith.mulf %unpack3A_156, %unpack3A_159 : vector<16xf32>
        %add3A_162 = arith.addf %mul3A_160, %mul3A_161 : vector<16xf32>
        %add3A_163 = arith.addf %add3A_147, %add3A_162 : vector<16xf32>
        %broadcast_in_dim3A_164 = arith.constant 20000 : i32
        %broadcast_in_dim3A_165 = vector.broadcast %broadcast_in_dim3A_164 : i32 to vector<16xi32>
        %add3A_166 = arith.addi %get3A_131, %broadcast_in_dim3A_165 : vector<16xi32>
        %gather3A_167 = tpu.vector_load_idx %arg8[%add3A_166] : memref<40000xi32, #tpu.memory_space<vmem>>[vector<16xi32>], vector<16xi32>,
        %add3A_168 = arith.addi %get3A_133, %broadcast_in_dim3A_165 : vector<16xi32>
        %gather3A_169 = tpu.vector_load_idx %arg8[%add3A_168] : memref<40000xi32, #tpu.memory_space<vmem>>[vector<16xi32>], vector<16xi32>,
        %bitcast3A_170 = vector.bitcast %gather3A_167 : vector<16xi32> to vector<32xbf16>
        %unpack3A_171 = tpu.unpack_subelements %bitcast3A_170, 0 {pack_format = #tpu.pack_format<interleaved>} : vector<32xbf16> -> vector<16xf32>
        %unpack3A_172 = tpu.unpack_subelements %bitcast3A_170, 1 {pack_format = #tpu.pack_format<interleaved>} : vector<32xbf16> -> vector<16xf32>
        %bitcast3A_173 = vector.bitcast %gather3A_169 : vector<16xi32> to vector<32xbf16>
        %unpack3A_174 = tpu.unpack_subelements %bitcast3A_173, 0 {pack_format = #tpu.pack_format<interleaved>} : vector<32xbf16> -> vector<16xf32>
        %unpack3A_175 = tpu.unpack_subelements %bitcast3A_173, 1 {pack_format = #tpu.pack_format<interleaved>} : vector<32xbf16> -> vector<16xf32>
        %mul3A_176 = arith.mulf %unpack3A_171, %unpack3A_174 : vector<16xf32>
        %mul3A_177 = arith.mulf %unpack3A_172, %unpack3A_175 : vector<16xf32>
        %add3A_178 = arith.addf %mul3A_176, %mul3A_177 : vector<16xf32>
        %add3A_179 = arith.addf %add3A_163, %add3A_178 : vector<16xf32>
        %broadcast_in_dim3A_180 = arith.constant 30000 : i32
        %broadcast_in_dim3A_181 = vector.broadcast %broadcast_in_dim3A_180 : i32 to vector<16xi32>
        %add3A_182 = arith.addi %get3A_131, %broadcast_in_dim3A_181 : vector<16xi32>
        %gather3A_183 = tpu.vector_load_idx %arg8[%add3A_182] : memref<40000xi32, #tpu.memory_space<vmem>>[vector<16xi32>], vector<16xi32>,
        %add3A_184 = arith.addi %get3A_133, %broadcast_in_dim3A_181 : vector<16xi32>
        %gather3A_185 = tpu.vector_load_idx %arg8[%add3A_184] : memref<40000xi32, #tpu.memory_space<vmem>>[vector<16xi32>], vector<16xi32>,
        %bitcast3A_186 = vector.bitcast %gather3A_183 : vector<16xi32> to vector<32xbf16>
        %unpack3A_187 = tpu.unpack_subelements %bitcast3A_186, 0 {pack_format = #tpu.pack_format<interleaved>} : vector<32xbf16> -> vector<16xf32>
        %unpack3A_188 = tpu.unpack_subelements %bitcast3A_186, 1 {pack_format = #tpu.pack_format<interleaved>} : vector<32xbf16> -> vector<16xf32>
        %bitcast3A_189 = vector.bitcast %gather3A_185 : vector<16xi32> to vector<32xbf16>
        %unpack3A_190 = tpu.unpack_subelements %bitcast3A_189, 0 {pack_format = #tpu.pack_format<interleaved>} : vector<32xbf16> -> vector<16xf32>
        %unpack3A_191 = tpu.unpack_subelements %bitcast3A_189, 1 {pack_format = #tpu.pack_format<interleaved>} : vector<32xbf16> -> vector<16xf32>
        %mul3A_192 = arith.mulf %unpack3A_187, %unpack3A_190 : vector<16xf32>
        %mul3A_193 = arith.mulf %unpack3A_188, %unpack3A_191 : vector<16xf32>
        %add3A_194 = arith.addf %mul3A_192, %mul3A_193 : vector<16xf32>
        %add3A_195 = arith.addf %add3A_179, %add3A_194 : vector<16xf32>
        %swap3A = arith.index_cast %mul3A_130 : i32 to index
        %swap3A_196 = tpu.vector_load %arg14[%swap3A] {strides = array<i32>} : memref<2000xf32, #tpu.memory_space<vmem>>, vector<16xf32>,
        tpu.vector_store %arg14[%swap3A], %add3A_195 {strides = array<i32>} : memref<2000xf32, #tpu.memory_space<vmem>>, vector<16xf32>,
        %scan3A_197 = arith.constant 1 : i32
        %scan3A_198 = arith.addi %scan3A_128, %scan3A_197 : i32
        %mul3A_199 = arith.constant 16 : i32
        %mul3A_200 = arith.muli %scan3A_198, %mul3A_199 : i32
        %get3A_201 = arith.index_cast %mul3A_200 : i32 to index
        %get3A_202 = tpu.vector_load %arg10[%get3A_201] {strides = array<i32>} : memref<2000xi32, #tpu.memory_space<vmem>>, vector<16xi32>,
        %get3A_203 = arith.index_cast %mul3A_200 : i32 to index
        %get3A_204 = tpu.vector_load %arg12[%get3A_203] {strides = array<i32>} : memref<2000xi32, #tpu.memory_space<vmem>>, vector<16xi32>,
        %broadcast_in_dim3A_205 = arith.constant 0.000000e+00 : f32
        %broadcast_in_dim3A_206 = vector.broadcast %broadcast_in_dim3A_205 : f32 to vector<16xf32>
        %broadcast_in_dim3A_207 = arith.constant 0 : i32
        %broadcast_in_dim3A_208 = vector.broadcast %broadcast_in_dim3A_207 : i32 to vector<16xi32>
        %add3A_209 = arith.addi %get3A_202, %broadcast_in_dim3A_208 : vector<16xi32>
        %gather3A_210 = tpu.vector_load_idx %arg8[%add3A_209] : memref<40000xi32, #tpu.memory_space<vmem>>[vector<16xi32>], vector<16xi32>,
        %add3A_211 = arith.addi %get3A_204, %broadcast_in_dim3A_208 : vector<16xi32>
        %gather3A_212 = tpu.vector_load_idx %arg8[%add3A_211] : memref<40000xi32, #tpu.memory_space<vmem>>[vector<16xi32>], vector<16xi32>,
        %bitcast3A_213 = vector.bitcast %gather3A_210 : vector<16xi32> to vector<32xbf16>
        %unpack3A_214 = tpu.unpack_subelements %bitcast3A_213, 0 {pack_format = #tpu.pack_format<interleaved>} : vector<32xbf16> -> vector<16xf32>
        %unpack3A_215 = tpu.unpack_subelements %bitcast3A_213, 1 {pack_format = #tpu.pack_format<interleaved>} : vector<32xbf16> -> vector<16xf32>
        %bitcast3A_216 = vector.bitcast %gather3A_212 : vector<16xi32> to vector<32xbf16>
        %unpack3A_217 = tpu.unpack_subelements %bitcast3A_216, 0 {pack_format = #tpu.pack_format<interleaved>} : vector<32xbf16> -> vector<16xf32>
        %unpack3A_218 = tpu.unpack_subelements %bitcast3A_216, 1 {pack_format = #tpu.pack_format<interleaved>} : vector<32xbf16> -> vector<16xf32>
        %mul3A_219 = arith.mulf %unpack3A_214, %unpack3A_217 : vector<16xf32>
        %mul3A_220 = arith.mulf %unpack3A_215, %unpack3A_218 : vector<16xf32>
        %add3A_221 = arith.addf %mul3A_219, %mul3A_220 : vector<16xf32>
        %add3A_222 = arith.addf %broadcast_in_dim3A_206, %add3A_221 : vector<16xf32>
        %broadcast_in_dim3A_223 = arith.constant 10000 : i32
        %broadcast_in_dim3A_224 = vector.broadcast %broadcast_in_dim3A_223 : i32 to vector<16xi32>
        %add3A_225 = arith.addi %get3A_202, %broadcast_in_dim3A_224 : vector<16xi32>
        %gather3A_226 = tpu.vector_load_idx %arg8[%add3A_225] : memref<40000xi32, #tpu.memory_space<vmem>>[vector<16xi32>], vector<16xi32>,
        %add3A_227 = arith.addi %get3A_204, %broadcast_in_dim3A_224 : vector<16xi32>
        %gather3A_228 = tpu.vector_load_idx %arg8[%add3A_227] : memref<40000xi32, #tpu.memory_space<vmem>>[vector<16xi32>], vector<16xi32>,
        %bitcast3A_229 = vector.bitcast %gather3A_226 : vector<16xi32> to vector<32xbf16>
        %unpack3A_230 = tpu.unpack_subelements %bitcast3A_229, 0 {pack_format = #tpu.pack_format<interleaved>} : vector<32xbf16> -> vector<16xf32>
        %unpack3A_231 = tpu.unpack_subelements %bitcast3A_229, 1 {pack_format = #tpu.pack_format<interleaved>} : vector<32xbf16> -> vector<16xf32>
        %bitcast3A_232 = vector.bitcast %gather3A_228 : vector<16xi32> to vector<32xbf16>
        %unpack3A_233 = tpu.unpack_subelements %bitcast3A_232, 0 {pack_format = #tpu.pack_format<interleaved>} : vector<32xbf16> -> vector<16xf32>
        %unpack3A_234 = tpu.unpack_subelements %bitcast3A_232, 1 {pack_format = #tpu.pack_format<interleaved>} : vector<32xbf16> -> vector<16xf32>
        %mul3A_235 = arith.mulf %unpack3A_230, %unpack3A_233 : vector<16xf32>
        %mul3A_236 = arith.mulf %unpack3A_231, %unpack3A_234 : vector<16xf32>
        %add3A_237 = arith.addf %mul3A_235, %mul3A_236 : vector<16xf32>
        %add3A_238 = arith.addf %add3A_222, %add3A_237 : vector<16xf32>
        %broadcast_in_dim3A_239 = arith.constant 20000 : i32
        %broadcast_in_dim3A_240 = vector.broadcast %broadcast_in_dim3A_239 : i32 to vector<16xi32>
        %add3A_241 = arith.addi %get3A_202, %broadcast_in_dim3A_240 : vector<16xi32>
        %gather3A_242 = tpu.vector_load_idx %arg8[%add3A_241] : memref<40000xi32, #tpu.memory_space<vmem>>[vector<16xi32>], vector<16xi32>,
        %add3A_243 = arith.addi %get3A_204, %broadcast_in_dim3A_240 : vector<16xi32>
        %gather3A_244 = tpu.vector_load_idx %arg8[%add3A_243] : memref<40000xi32, #tpu.memory_space<vmem>>[vector<16xi32>], vector<16xi32>,
        %bitcast3A_245 = vector.bitcast %gather3A_242 : vector<16xi32> to vector<32xbf16>
        %unpack3A_246 = tpu.unpack_subelements %bitcast3A_245, 0 {pack_format = #tpu.pack_format<interleaved>} : vector<32xbf16> -> vector<16xf32>
        %unpack3A_247 = tpu.unpack_subelements %bitcast3A_245, 1 {pack_format = #tpu.pack_format<interleaved>} : vector<32xbf16> -> vector<16xf32>
        %bitcast3A_248 = vector.bitcast %gather3A_244 : vector<16xi32> to vector<32xbf16>
        %unpack3A_249 = tpu.unpack_subelements %bitcast3A_248, 0 {pack_format = #tpu.pack_format<interleaved>} : vector<32xbf16> -> vector<16xf32>
        %unpack3A_250 = tpu.unpack_subelements %bitcast3A_248, 1 {pack_format = #tpu.pack_format<interleaved>} : vector<32xbf16> -> vector<16xf32>
        %mul3A_251 = arith.mulf %unpack3A_246, %unpack3A_249 : vector<16xf32>
        %mul3A_252 = arith.mulf %unpack3A_247, %unpack3A_250 : vector<16xf32>
        %add3A_253 = arith.addf %mul3A_251, %mul3A_252 : vector<16xf32>
        %add3A_254 = arith.addf %add3A_238, %add3A_253 : vector<16xf32>
        %broadcast_in_dim3A_255 = arith.constant 30000 : i32
        %broadcast_in_dim3A_256 = vector.broadcast %broadcast_in_dim3A_255 : i32 to vector<16xi32>
        %add3A_257 = arith.addi %get3A_202, %broadcast_in_dim3A_256 : vector<16xi32>
        %gather3A_258 = tpu.vector_load_idx %arg8[%add3A_257] : memref<40000xi32, #tpu.memory_space<vmem>>[vector<16xi32>], vector<16xi32>,
        %add3A_259 = arith.addi %get3A_204, %broadcast_in_dim3A_256 : vector<16xi32>
        %gather3A_260 = tpu.vector_load_idx %arg8[%add3A_259] : memref<40000xi32, #tpu.memory_space<vmem>>[vector<16xi32>], vector<16xi32>,
        %bitcast3A_261 = vector.bitcast %gather3A_258 : vector<16xi32> to vector<32xbf16>
        %unpack3A_262 = tpu.unpack_subelements %bitcast3A_261, 0 {pack_format = #tpu.pack_format<interleaved>} : vector<32xbf16> -> vector<16xf32>
        %unpack3A_263 = tpu.unpack_subelements %bitcast3A_261, 1 {pack_format = #tpu.pack_format<interleaved>} : vector<32xbf16> -> vector<16xf32>
        %bitcast3A_264 = vector.bitcast %gather3A_260 : vector<16xi32> to vector<32xbf16>
        %unpack3A_265 = tpu.unpack_subelements %bitcast3A_264, 0 {pack_format = #tpu.pack_format<interleaved>} : vector<32xbf16> -> vector<16xf32>
        %unpack3A_266 = tpu.unpack_subelements %bitcast3A_264, 1 {pack_format = #tpu.pack_format<interleaved>} : vector<32xbf16> -> vector<16xf32>
        %mul3A_267 = arith.mulf %unpack3A_262, %unpack3A_265 : vector<16xf32>
        %mul3A_268 = arith.mulf %unpack3A_263, %unpack3A_266 : vector<16xf32>
        %add3A_269 = arith.addf %mul3A_267, %mul3A_268 : vector<16xf32>
        %add3A_270 = arith.addf %add3A_254, %add3A_269 : vector<16xf32>
        %swap3A_271 = arith.index_cast %mul3A_200 : i32 to index
        %swap3A_272 = tpu.vector_load %arg14[%swap3A_271] {strides = array<i32>} : memref<2000xf32, #tpu.memory_space<vmem>>, vector<16xf32>,
        tpu.vector_store %arg14[%swap3A_271], %add3A_270 {strides = array<i32>} : memref<2000xf32, #tpu.memory_space<vmem>>, vector<16xf32>,
        %scan3A_273 = arith.constant 2 : i32
        %scan3A_274 = arith.addi %scan3A_128, %scan3A_273 : i32
        %mul3A_275 = arith.constant 16 : i32
        %mul3A_276 = arith.muli %scan3A_274, %mul3A_275 : i32
        %get3A_277 = arith.index_cast %mul3A_276 : i32 to index
        %get3A_278 = tpu.vector_load %arg10[%get3A_277] {strides = array<i32>} : memref<2000xi32, #tpu.memory_space<vmem>>, vector<16xi32>,
        %get3A_279 = arith.index_cast %mul3A_276 : i32 to index
        %get3A_280 = tpu.vector_load %arg12[%get3A_279] {strides = array<i32>} : memref<2000xi32, #tpu.memory_space<vmem>>, vector<16xi32>,
        %broadcast_in_dim3A_281 = arith.constant 0.000000e+00 : f32
        %broadcast_in_dim3A_282 = vector.broadcast %broadcast_in_dim3A_281 : f32 to vector<16xf32>
        %broadcast_in_dim3A_283 = arith.constant 0 : i32
        %broadcast_in_dim3A_284 = vector.broadcast %broadcast_in_dim3A_283 : i32 to vector<16xi32>
        %add3A_285 = arith.addi %get3A_278, %broadcast_in_dim3A_284 : vector<16xi32>
        %gather3A_286 = tpu.vector_load_idx %arg8[%add3A_285] : memref<40000xi32, #tpu.memory_space<vmem>>[vector<16xi32>], vector<16xi32>,
        %add3A_287 = arith.addi %get3A_280, %broadcast_in_dim3A_284 : vector<16xi32>
        %gather3A_288 = tpu.vector_load_idx %arg8[%add3A_287] : memref<40000xi32, #tpu.memory_space<vmem>>[vector<16xi32>], vector<16xi32>,
        %bitcast3A_289 = vector.bitcast %gather3A_286 : vector<16xi32> to vector<32xbf16>
        %unpack3A_290 = tpu.unpack_subelements %bitcast3A_289, 0 {pack_format = #tpu.pack_format<interleaved>} : vector<32xbf16> -> vector<16xf32>
        %unpack3A_291 = tpu.unpack_subelements %bitcast3A_289, 1 {pack_format = #tpu.pack_format<interleaved>} : vector<32xbf16> -> vector<16xf32>
        %bitcast3A_292 = vector.bitcast %gather3A_288 : vector<16xi32> to vector<32xbf16>
        %unpack3A_293 = tpu.unpack_subelements %bitcast3A_292, 0 {pack_format = #tpu.pack_format<interleaved>} : vector<32xbf16> -> vector<16xf32>
        %unpack3A_294 = tpu.unpack_subelements %bitcast3A_292, 1 {pack_format = #tpu.pack_format<interleaved>} : vector<32xbf16> -> vector<16xf32>
        %mul3A_295 = arith.mulf %unpack3A_290, %unpack3A_293 : vector<16xf32>
        %mul3A_296 = arith.mulf %unpack3A_291, %unpack3A_294 : vector<16xf32>
        %add3A_297 = arith.addf %mul3A_295, %mul3A_296 : vector<16xf32>
        %add3A_298 = arith.addf %broadcast_in_dim3A_282, %add3A_297 : vector<16xf32>
        %broadcast_in_dim3A_299 = arith.constant 10000 : i32
        %broadcast_in_dim3A_300 = vector.broadcast %broadcast_in_dim3A_299 : i32 to vector<16xi32>
        %add3A_301 = arith.addi %get3A_278, %broadcast_in_dim3A_300 : vector<16xi32>
        %gather3A_302 = tpu.vector_load_idx %arg8[%add3A_301] : memref<40000xi32, #tpu.memory_space<vmem>>[vector<16xi32>], vector<16xi32>,
        %add3A_303 = arith.addi %get3A_280, %broadcast_in_dim3A_300 : vector<16xi32>
        %gather3A_304 = tpu.vector_load_idx %arg8[%add3A_303] : memref<40000xi32, #tpu.memory_space<vmem>>[vector<16xi32>], vector<16xi32>,
        %bitcast3A_305 = vector.bitcast %gather3A_302 : vector<16xi32> to vector<32xbf16>
        %unpack3A_306 = tpu.unpack_subelements %bitcast3A_305, 0 {pack_format = #tpu.pack_format<interleaved>} : vector<32xbf16> -> vector<16xf32>
        %unpack3A_307 = tpu.unpack_subelements %bitcast3A_305, 1 {pack_format = #tpu.pack_format<interleaved>} : vector<32xbf16> -> vector<16xf32>
        %bitcast3A_308 = vector.bitcast %gather3A_304 : vector<16xi32> to vector<32xbf16>
        %unpack3A_309 = tpu.unpack_subelements %bitcast3A_308, 0 {pack_format = #tpu.pack_format<interleaved>} : vector<32xbf16> -> vector<16xf32>
        %unpack3A_310 = tpu.unpack_subelements %bitcast3A_308, 1 {pack_format = #tpu.pack_format<interleaved>} : vector<32xbf16> -> vector<16xf32>
        %mul3A_311 = arith.mulf %unpack3A_306, %unpack3A_309 : vector<16xf32>
        %mul3A_312 = arith.mulf %unpack3A_307, %unpack3A_310 : vector<16xf32>
        %add3A_313 = arith.addf %mul3A_311, %mul3A_312 : vector<16xf32>
        %add3A_314 = arith.addf %add3A_298, %add3A_313 : vector<16xf32>
        %broadcast_in_dim3A_315 = arith.constant 20000 : i32
        %broadcast_in_dim3A_316 = vector.broadcast %broadcast_in_dim3A_315 : i32 to vector<16xi32>
        %add3A_317 = arith.addi %get3A_278, %broadcast_in_dim3A_316 : vector<16xi32>
        %gather3A_318 = tpu.vector_load_idx %arg8[%add3A_317] : memref<40000xi32, #tpu.memory_space<vmem>>[vector<16xi32>], vector<16xi32>,
        %add3A_319 = arith.addi %get3A_280, %broadcast_in_dim3A_316 : vector<16xi32>
        %gather3A_320 = tpu.vector_load_idx %arg8[%add3A_319] : memref<40000xi32, #tpu.memory_space<vmem>>[vector<16xi32>], vector<16xi32>,
        %bitcast3A_321 = vector.bitcast %gather3A_318 : vector<16xi32> to vector<32xbf16>
        %unpack3A_322 = tpu.unpack_subelements %bitcast3A_321, 0 {pack_format = #tpu.pack_format<interleaved>} : vector<32xbf16> -> vector<16xf32>
        %unpack3A_323 = tpu.unpack_subelements %bitcast3A_321, 1 {pack_format = #tpu.pack_format<interleaved>} : vector<32xbf16> -> vector<16xf32>
        %bitcast3A_324 = vector.bitcast %gather3A_320 : vector<16xi32> to vector<32xbf16>
        %unpack3A_325 = tpu.unpack_subelements %bitcast3A_324, 0 {pack_format = #tpu.pack_format<interleaved>} : vector<32xbf16> -> vector<16xf32>
        %unpack3A_326 = tpu.unpack_subelements %bitcast3A_324, 1 {pack_format = #tpu.pack_format<interleaved>} : vector<32xbf16> -> vector<16xf32>
        %mul3A_327 = arith.mulf %unpack3A_322, %unpack3A_325 : vector<16xf32>
        %mul3A_328 = arith.mulf %unpack3A_323, %unpack3A_326 : vector<16xf32>
        %add3A_329 = arith.addf %mul3A_327, %mul3A_328 : vector<16xf32>
        %add3A_330 = arith.addf %add3A_314, %add3A_329 : vector<16xf32>
        %broadcast_in_dim3A_331 = arith.constant 30000 : i32
        %broadcast_in_dim3A_332 = vector.broadcast %broadcast_in_dim3A_331 : i32 to vector<16xi32>
        %add3A_333 = arith.addi %get3A_278, %broadcast_in_dim3A_332 : vector<16xi32>
        %gather3A_334 = tpu.vector_load_idx %arg8[%add3A_333] : memref<40000xi32, #tpu.memory_space<vmem>>[vector<16xi32>], vector<16xi32>,
        %add3A_335 = arith.addi %get3A_280, %broadcast_in_dim3A_332 : vector<16xi32>
        %gather3A_336 = tpu.vector_load_idx %arg8[%add3A_335] : memref<40000xi32, #tpu.memory_space<vmem>>[vector<16xi32>], vector<16xi32>,
        %bitcast3A_337 = vector.bitcast %gather3A_334 : vector<16xi32> to vector<32xbf16>
        %unpack3A_338 = tpu.unpack_subelements %bitcast3A_337, 0 {pack_format = #tpu.pack_format<interleaved>} : vector<32xbf16> -> vector<16xf32>
        %unpack3A_339 = tpu.unpack_subelements %bitcast3A_337, 1 {pack_format = #tpu.pack_format<interleaved>} : vector<32xbf16> -> vector<16xf32>
        %bitcast3A_340 = vector.bitcast %gather3A_336 : vector<16xi32> to vector<32xbf16>
        %unpack3A_341 = tpu.unpack_subelements %bitcast3A_340, 0 {pack_format = #tpu.pack_format<interleaved>} : vector<32xbf16> -> vector<16xf32>
        %unpack3A_342 = tpu.unpack_subelements %bitcast3A_340, 1 {pack_format = #tpu.pack_format<interleaved>} : vector<32xbf16> -> vector<16xf32>
        %mul3A_343 = arith.mulf %unpack3A_338, %unpack3A_341 : vector<16xf32>
        %mul3A_344 = arith.mulf %unpack3A_339, %unpack3A_342 : vector<16xf32>
        %add3A_345 = arith.addf %mul3A_343, %mul3A_344 : vector<16xf32>
        %add3A_346 = arith.addf %add3A_330, %add3A_345 : vector<16xf32>
        %swap3A_347 = arith.index_cast %mul3A_276 : i32 to index
        %swap3A_348 = tpu.vector_load %arg14[%swap3A_347] {strides = array<i32>} : memref<2000xf32, #tpu.memory_space<vmem>>, vector<16xf32>,
        tpu.vector_store %arg14[%swap3A_347], %add3A_346 {strides = array<i32>} : memref<2000xf32, #tpu.memory_space<vmem>>, vector<16xf32>,
        %scan3A_349 = arith.constant 3 : i32
        %scan3A_350 = arith.addi %scan3A_128, %scan3A_349 : i32
        %mul3A_351 = arith.constant 16 : i32
        %mul3A_352 = arith.muli %scan3A_350, %mul3A_351 : i32
        %get3A_353 = arith.index_cast %mul3A_352 : i32 to index
        %get3A_354 = tpu.vector_load %arg10[%get3A_353] {strides = array<i32>} : memref<2000xi32, #tpu.memory_space<vmem>>, vector<16xi32>,
        %get3A_355 = arith.index_cast %mul3A_352 : i32 to index
        %get3A_356 = tpu.vector_load %arg12[%get3A_355] {strides = array<i32>} : memref<2000xi32, #tpu.memory_space<vmem>>, vector<16xi32>,
        %broadcast_in_dim3A_357 = arith.constant 0.000000e+00 : f32
        %broadcast_in_dim3A_358 = vector.broadcast %broadcast_in_dim3A_357 : f32 to vector<16xf32>
        %broadcast_in_dim3A_359 = arith.constant 0 : i32
        %broadcast_in_dim3A_360 = vector.broadcast %broadcast_in_dim3A_359 : i32 to vector<16xi32>
        %add3A_361 = arith.addi %get3A_354, %broadcast_in_dim3A_360 : vector<16xi32>
        %gather3A_362 = tpu.vector_load_idx %arg8[%add3A_361] : memref<40000xi32, #tpu.memory_space<vmem>>[vector<16xi32>], vector<16xi32>,
        %add3A_363 = arith.addi %get3A_356, %broadcast_in_dim3A_360 : vector<16xi32>
        %gather3A_364 = tpu.vector_load_idx %arg8[%add3A_363] : memref<40000xi32, #tpu.memory_space<vmem>>[vector<16xi32>], vector<16xi32>,
        %bitcast3A_365 = vector.bitcast %gather3A_362 : vector<16xi32> to vector<32xbf16>
        %unpack3A_366 = tpu.unpack_subelements %bitcast3A_365, 0 {pack_format = #tpu.pack_format<interleaved>} : vector<32xbf16> -> vector<16xf32>
        %unpack3A_367 = tpu.unpack_subelements %bitcast3A_365, 1 {pack_format = #tpu.pack_format<interleaved>} : vector<32xbf16> -> vector<16xf32>
        %bitcast3A_368 = vector.bitcast %gather3A_364 : vector<16xi32> to vector<32xbf16>
        %unpack3A_369 = tpu.unpack_subelements %bitcast3A_368, 0 {pack_format = #tpu.pack_format<interleaved>} : vector<32xbf16> -> vector<16xf32>
        %unpack3A_370 = tpu.unpack_subelements %bitcast3A_368, 1 {pack_format = #tpu.pack_format<interleaved>} : vector<32xbf16> -> vector<16xf32>
        %mul3A_371 = arith.mulf %unpack3A_366, %unpack3A_369 : vector<16xf32>
        %mul3A_372 = arith.mulf %unpack3A_367, %unpack3A_370 : vector<16xf32>
        %add3A_373 = arith.addf %mul3A_371, %mul3A_372 : vector<16xf32>
        %add3A_374 = arith.addf %broadcast_in_dim3A_358, %add3A_373 : vector<16xf32>
        %broadcast_in_dim3A_375 = arith.constant 10000 : i32
        %broadcast_in_dim3A_376 = vector.broadcast %broadcast_in_dim3A_375 : i32 to vector<16xi32>
        %add3A_377 = arith.addi %get3A_354, %broadcast_in_dim3A_376 : vector<16xi32>
        %gather3A_378 = tpu.vector_load_idx %arg8[%add3A_377] : memref<40000xi32, #tpu.memory_space<vmem>>[vector<16xi32>], vector<16xi32>,
        %add3A_379 = arith.addi %get3A_356, %broadcast_in_dim3A_376 : vector<16xi32>
        %gather3A_380 = tpu.vector_load_idx %arg8[%add3A_379] : memref<40000xi32, #tpu.memory_space<vmem>>[vector<16xi32>], vector<16xi32>,
        %bitcast3A_381 = vector.bitcast %gather3A_378 : vector<16xi32> to vector<32xbf16>
        %unpack3A_382 = tpu.unpack_subelements %bitcast3A_381, 0 {pack_format = #tpu.pack_format<interleaved>} : vector<32xbf16> -> vector<16xf32>
        %unpack3A_383 = tpu.unpack_subelements %bitcast3A_381, 1 {pack_format = #tpu.pack_format<interleaved>} : vector<32xbf16> -> vector<16xf32>
        %bitcast3A_384 = vector.bitcast %gather3A_380 : vector<16xi32> to vector<32xbf16>
        %unpack3A_385 = tpu.unpack_subelements %bitcast3A_384, 0 {pack_format = #tpu.pack_format<interleaved>} : vector<32xbf16> -> vector<16xf32>
        %unpack3A_386 = tpu.unpack_subelements %bitcast3A_384, 1 {pack_format = #tpu.pack_format<interleaved>} : vector<32xbf16> -> vector<16xf32>
        %mul3A_387 = arith.mulf %unpack3A_382, %unpack3A_385 : vector<16xf32>
        %mul3A_388 = arith.mulf %unpack3A_383, %unpack3A_386 : vector<16xf32>
        %add3A_389 = arith.addf %mul3A_387, %mul3A_388 : vector<16xf32>
        %add3A_390 = arith.addf %add3A_374, %add3A_389 : vector<16xf32>
        %broadcast_in_dim3A_391 = arith.constant 20000 : i32
        %broadcast_in_dim3A_392 = vector.broadcast %broadcast_in_dim3A_391 : i32 to vector<16xi32>
        %add3A_393 = arith.addi %get3A_354, %broadcast_in_dim3A_392 : vector<16xi32>
        %gather3A_394 = tpu.vector_load_idx %arg8[%add3A_393] : memref<40000xi32, #tpu.memory_space<vmem>>[vector<16xi32>], vector<16xi32>,
        %add3A_395 = arith.addi %get3A_356, %broadcast_in_dim3A_392 : vector<16xi32>
        %gather3A_396 = tpu.vector_load_idx %arg8[%add3A_395] : memref<40000xi32, #tpu.memory_space<vmem>>[vector<16xi32>], vector<16xi32>,
        %bitcast3A_397 = vector.bitcast %gather3A_394 : vector<16xi32> to vector<32xbf16>
        %unpack3A_398 = tpu.unpack_subelements %bitcast3A_397, 0 {pack_format = #tpu.pack_format<interleaved>} : vector<32xbf16> -> vector<16xf32>
        %unpack3A_399 = tpu.unpack_subelements %bitcast3A_397, 1 {pack_format = #tpu.pack_format<interleaved>} : vector<32xbf16> -> vector<16xf32>
        %bitcast3A_400 = vector.bitcast %gather3A_396 : vector<16xi32> to vector<32xbf16>
        %unpack3A_401 = tpu.unpack_subelements %bitcast3A_400, 0 {pack_format = #tpu.pack_format<interleaved>} : vector<32xbf16> -> vector<16xf32>
        %unpack3A_402 = tpu.unpack_subelements %bitcast3A_400, 1 {pack_format = #tpu.pack_format<interleaved>} : vector<32xbf16> -> vector<16xf32>
        %mul3A_403 = arith.mulf %unpack3A_398, %unpack3A_401 : vector<16xf32>
        %mul3A_404 = arith.mulf %unpack3A_399, %unpack3A_402 : vector<16xf32>
        %add3A_405 = arith.addf %mul3A_403, %mul3A_404 : vector<16xf32>
        %add3A_406 = arith.addf %add3A_390, %add3A_405 : vector<16xf32>
        %broadcast_in_dim3A_407 = arith.constant 30000 : i32
        %broadcast_in_dim3A_408 = vector.broadcast %broadcast_in_dim3A_407 : i32 to vector<16xi32>
        %add3A_409 = arith.addi %get3A_354, %broadcast_in_dim3A_408 : vector<16xi32>
        %gather3A_410 = tpu.vector_load_idx %arg8[%add3A_409] : memref<40000xi32, #tpu.memory_space<vmem>>[vector<16xi32>], vector<16xi32>,
        %add3A_411 = arith.addi %get3A_356, %broadcast_in_dim3A_408 : vector<16xi32>
        %gather3A_412 = tpu.vector_load_idx %arg8[%add3A_411] : memref<40000xi32, #tpu.memory_space<vmem>>[vector<16xi32>], vector<16xi32>,
        %bitcast3A_413 = vector.bitcast %gather3A_410 : vector<16xi32> to vector<32xbf16>
        %unpack3A_414 = tpu.unpack_subelements %bitcast3A_413, 0 {pack_format = #tpu.pack_format<interleaved>} : vector<32xbf16> -> vector<16xf32>
        %unpack3A_415 = tpu.unpack_subelements %bitcast3A_413, 1 {pack_format = #tpu.pack_format<interleaved>} : vector<32xbf16> -> vector<16xf32>
        %bitcast3A_416 = vector.bitcast %gather3A_412 : vector<16xi32> to vector<32xbf16>
        %unpack3A_417 = tpu.unpack_subelements %bitcast3A_416, 0 {pack_format = #tpu.pack_format<interleaved>} : vector<32xbf16> -> vector<16xf32>
        %unpack3A_418 = tpu.unpack_subelements %bitcast3A_416, 1 {pack_format = #tpu.pack_format<interleaved>} : vector<32xbf16> -> vector<16xf32>
        %mul3A_419 = arith.mulf %unpack3A_414, %unpack3A_417 : vector<16xf32>
        %mul3A_420 = arith.mulf %unpack3A_415, %unpack3A_418 : vector<16xf32>
        %add3A_421 = arith.addf %mul3A_419, %mul3A_420 : vector<16xf32>
        %add3A_422 = arith.addf %add3A_406, %add3A_421 : vector<16xf32>
        %swap3A_423 = arith.index_cast %mul3A_352 : i32 to index
        %swap3A_424 = tpu.vector_load %arg14[%swap3A_423] {strides = array<i32>} : memref<2000xf32, #tpu.memory_space<vmem>>, vector<16xf32>,
        tpu.vector_store %arg14[%swap3A_423], %add3A_422 {strides = array<i32>} : memref<2000xf32, #tpu.memory_space<vmem>>, vector<16xf32>,
        %scan3A_425 = arith.constant 4 : i32
        %scan3A_426 = arith.addi %scan3A_128, %scan3A_425 : i32
        %mul3A_427 = arith.constant 16 : i32
        %mul3A_428 = arith.muli %scan3A_426, %mul3A_427 : i32
        %get3A_429 = arith.index_cast %mul3A_428 : i32 to index
        %get3A_430 = tpu.vector_load %arg10[%get3A_429] {strides = array<i32>} : memref<2000xi32, #tpu.memory_space<vmem>>, vector<16xi32>,
        %get3A_431 = arith.index_cast %mul3A_428 : i32 to index
        %get3A_432 = tpu.vector_load %arg12[%get3A_431] {strides = array<i32>} : memref<2000xi32, #tpu.memory_space<vmem>>, vector<16xi32>,
        %broadcast_in_dim3A_433 = arith.constant 0.000000e+00 : f32
        %broadcast_in_dim3A_434 = vector.broadcast %broadcast_in_dim3A_433 : f32 to vector<16xf32>
        %broadcast_in_dim3A_435 = arith.constant 0 : i32
        %broadcast_in_dim3A_436 = vector.broadcast %broadcast_in_dim3A_435 : i32 to vector<16xi32>
        %add3A_437 = arith.addi %get3A_430, %broadcast_in_dim3A_436 : vector<16xi32>
        %gather3A_438 = tpu.vector_load_idx %arg8[%add3A_437] : memref<40000xi32, #tpu.memory_space<vmem>>[vector<16xi32>], vector<16xi32>,
        %add3A_439 = arith.addi %get3A_432, %broadcast_in_dim3A_436 : vector<16xi32>
        %gather3A_440 = tpu.vector_load_idx %arg8[%add3A_439] : memref<40000xi32, #tpu.memory_space<vmem>>[vector<16xi32>], vector<16xi32>,
        %bitcast3A_441 = vector.bitcast %gather3A_438 : vector<16xi32> to vector<32xbf16>
        %unpack3A_442 = tpu.unpack_subelements %bitcast3A_441, 0 {pack_format = #tpu.pack_format<interleaved>} : vector<32xbf16> -> vector<16xf32>
        %unpack3A_443 = tpu.unpack_subelements %bitcast3A_441, 1 {pack_format = #tpu.pack_format<interleaved>} : vector<32xbf16> -> vector<16xf32>
        %bitcast3A_444 = vector.bitcast %gather3A_440 : vector<16xi32> to vector<32xbf16>
        %unpack3A_445 = tpu.unpack_subelements %bitcast3A_444, 0 {pack_format = #tpu.pack_format<interleaved>} : vector<32xbf16> -> vector<16xf32>
        %unpack3A_446 = tpu.unpack_subelements %bitcast3A_444, 1 {pack_format = #tpu.pack_format<interleaved>} : vector<32xbf16> -> vector<16xf32>
        %mul3A_447 = arith.mulf %unpack3A_442, %unpack3A_445 : vector<16xf32>
        %mul3A_448 = arith.mulf %unpack3A_443, %unpack3A_446 : vector<16xf32>
        %add3A_449 = arith.addf %mul3A_447, %mul3A_448 : vector<16xf32>
        %add3A_450 = arith.addf %broadcast_in_dim3A_434, %add3A_449 : vector<16xf32>
        %broadcast_in_dim3A_451 = arith.constant 10000 : i32
        %broadcast_in_dim3A_452 = vector.broadcast %broadcast_in_dim3A_451 : i32 to vector<16xi32>
        %add3A_453 = arith.addi %get3A_430, %broadcast_in_dim3A_452 : vector<16xi32>
        %gather3A_454 = tpu.vector_load_idx %arg8[%add3A_453] : memref<40000xi32, #tpu.memory_space<vmem>>[vector<16xi32>], vector<16xi32>,
        %add3A_455 = arith.addi %get3A_432, %broadcast_in_dim3A_452 : vector<16xi32>
        %gather3A_456 = tpu.vector_load_idx %arg8[%add3A_455] : memref<40000xi32, #tpu.memory_space<vmem>>[vector<16xi32>], vector<16xi32>,
        %bitcast3A_457 = vector.bitcast %gather3A_454 : vector<16xi32> to vector<32xbf16>
        %unpack3A_458 = tpu.unpack_subelements %bitcast3A_457, 0 {pack_format = #tpu.pack_format<interleaved>} : vector<32xbf16> -> vector<16xf32>
        %unpack3A_459 = tpu.unpack_subelements %bitcast3A_457, 1 {pack_format = #tpu.pack_format<interleaved>} : vector<32xbf16> -> vector<16xf32>
        %bitcast3A_460 = vector.bitcast %gather3A_456 : vector<16xi32> to vector<32xbf16>
        %unpack3A_461 = tpu.unpack_subelements %bitcast3A_460, 0 {pack_format = #tpu.pack_format<interleaved>} : vector<32xbf16> -> vector<16xf32>
        %unpack3A_462 = tpu.unpack_subelements %bitcast3A_460, 1 {pack_format = #tpu.pack_format<interleaved>} : vector<32xbf16> -> vector<16xf32>
        %mul3A_463 = arith.mulf %unpack3A_458, %unpack3A_461 : vector<16xf32>
        %mul3A_464 = arith.mulf %unpack3A_459, %unpack3A_462 : vector<16xf32>
        %add3A_465 = arith.addf %mul3A_463, %mul3A_464 : vector<16xf32>
        %add3A_466 = arith.addf %add3A_450, %add3A_465 : vector<16xf32>
        %broadcast_in_dim3A_467 = arith.constant 20000 : i32
        %broadcast_in_dim3A_468 = vector.broadcast %broadcast_in_dim3A_467 : i32 to vector<16xi32>
        %add3A_469 = arith.addi %get3A_430, %broadcast_in_dim3A_468 : vector<16xi32>
        %gather3A_470 = tpu.vector_load_idx %arg8[%add3A_469] : memref<40000xi32, #tpu.memory_space<vmem>>[vector<16xi32>], vector<16xi32>,
        %add3A_471 = arith.addi %get3A_432, %broadcast_in_dim3A_468 : vector<16xi32>
        %gather3A_472 = tpu.vector_load_idx %arg8[%add3A_471] : memref<40000xi32, #tpu.memory_space<vmem>>[vector<16xi32>], vector<16xi32>,
        %bitcast3A_473 = vector.bitcast %gather3A_470 : vector<16xi32> to vector<32xbf16>
        %unpack3A_474 = tpu.unpack_subelements %bitcast3A_473, 0 {pack_format = #tpu.pack_format<interleaved>} : vector<32xbf16> -> vector<16xf32>
        %unpack3A_475 = tpu.unpack_subelements %bitcast3A_473, 1 {pack_format = #tpu.pack_format<interleaved>} : vector<32xbf16> -> vector<16xf32>
        %bitcast3A_476 = vector.bitcast %gather3A_472 : vector<16xi32> to vector<32xbf16>
        %unpack3A_477 = tpu.unpack_subelements %bitcast3A_476, 0 {pack_format = #tpu.pack_format<interleaved>} : vector<32xbf16> -> vector<16xf32>
        %unpack3A_478 = tpu.unpack_subelements %bitcast3A_476, 1 {pack_format = #tpu.pack_format<interleaved>} : vector<32xbf16> -> vector<16xf32>
        %mul3A_479 = arith.mulf %unpack3A_474, %unpack3A_477 : vector<16xf32>
        %mul3A_480 = arith.mulf %unpack3A_475, %unpack3A_478 : vector<16xf32>
        %add3A_481 = arith.addf %mul3A_479, %mul3A_480 : vector<16xf32>
        %add3A_482 = arith.addf %add3A_466, %add3A_481 : vector<16xf32>
        %broadcast_in_dim3A_483 = arith.constant 30000 : i32
        %broadcast_in_dim3A_484 = vector.broadcast %broadcast_in_dim3A_483 : i32 to vector<16xi32>
        %add3A_485 = arith.addi %get3A_430, %broadcast_in_dim3A_484 : vector<16xi32>
        %gather3A_486 = tpu.vector_load_idx %arg8[%add3A_485] : memref<40000xi32, #tpu.memory_space<vmem>>[vector<16xi32>], vector<16xi32>,
        %add3A_487 = arith.addi %get3A_432, %broadcast_in_dim3A_484 : vector<16xi32>
        %gather3A_488 = tpu.vector_load_idx %arg8[%add3A_487] : memref<40000xi32, #tpu.memory_space<vmem>>[vector<16xi32>], vector<16xi32>,
        %bitcast3A_489 = vector.bitcast %gather3A_486 : vector<16xi32> to vector<32xbf16>
        %unpack3A_490 = tpu.unpack_subelements %bitcast3A_489, 0 {pack_format = #tpu.pack_format<interleaved>} : vector<32xbf16> -> vector<16xf32>
        %unpack3A_491 = tpu.unpack_subelements %bitcast3A_489, 1 {pack_format = #tpu.pack_format<interleaved>} : vector<32xbf16> -> vector<16xf32>
        %bitcast3A_492 = vector.bitcast %gather3A_488 : vector<16xi32> to vector<32xbf16>
        %unpack3A_493 = tpu.unpack_subelements %bitcast3A_492, 0 {pack_format = #tpu.pack_format<interleaved>} : vector<32xbf16> -> vector<16xf32>
        %unpack3A_494 = tpu.unpack_subelements %bitcast3A_492, 1 {pack_format = #tpu.pack_format<interleaved>} : vector<32xbf16> -> vector<16xf32>
        %mul3A_495 = arith.mulf %unpack3A_490, %unpack3A_493 : vector<16xf32>
        %mul3A_496 = arith.mulf %unpack3A_491, %unpack3A_494 : vector<16xf32>
        %add3A_497 = arith.addf %mul3A_495, %mul3A_496 : vector<16xf32>
        %add3A_498 = arith.addf %add3A_482, %add3A_497 : vector<16xf32>
        %swap3A_499 = arith.index_cast %mul3A_428 : i32 to index
        %swap3A_500 = tpu.vector_load %arg14[%swap3A_499] {strides = array<i32>} : memref<2000xf32, #tpu.memory_space<vmem>>, vector<16xf32>,
        tpu.vector_store %arg14[%swap3A_499], %add3A_498 {strides = array<i32>} : memref<2000xf32, #tpu.memory_space<vmem>>, vector<16xf32>,
      }
      %scan3A_70 = arith.constant 125 : i32
      %mul3A_71 = arith.constant 327680 : i32
      %mul3A_72 = arith.muli %arg1, %mul3A_71 : i32
      %add3A_73 = arith.addi %mul3A_72, %mul3A_2 : i32
      %mul3A_74 = arith.constant 2000 : i32
      %mul3A_75 = arith.muli %mul3A_38, %mul3A_74 : i32
      %add3A_76 = arith.addi %add3A_73, %mul3A_75 : i32
      %dma_start3A_77 = tpu.memref_slice %arg5[%add3A_76] : memref<5242880xf32, #tpu.memory_space<hbm>> -> memref<2000xf32, #tpu.memory_space<hbm>>
      %dma_start3A_78 = tpu.memref_slice %arg5[%add3A_76] : memref<5242880xf32, #tpu.memory_space<hbm>> -> memref<2000xf32, #tpu.memory_space<hbm>>
      tpu.enqueue_dma source(%arg14 : memref<2000xf32, #tpu.memory_space<vmem>>) target(%dma_start3A_78 : memref<2000xf32, #tpu.memory_space<hbm>>) target_semaphore(%arg20 : memref<!tpu.dma_semaphore, #tpu.memory_space<semaphore_mem>>)
      %rem3A = arith.constant 16 : i32
      %rem3A_79 = arith.remsi %mul3A_38, %rem3A : i32
      %eq3A = arith.cmpi eq, %rem3A_79, %arg1 : i32
      %convert_element_type3A_80 = arith.extui %eq3A : i1 to i32
      %cond3A_81 = arith.constant 0 : i32
      %cond3A_82 = arith.cmpi ne, %convert_element_type3A_80, %cond3A_81 : i32
      scf.if %cond3A_82 {
        %ge3A_128 = arith.constant 16 : i32
        %ge3A_129 = arith.cmpi sge, %mul3A_38, %ge3A_128 : i32
        %convert_element_type3A_130 = arith.extui %ge3A_129 : i1 to i32
        %cond3A_131 = arith.constant 0 : i32
        %cond3A_132 = arith.cmpi ne, %convert_element_type3A_130, %cond3A_131 : i32
        scf.if %cond3A_132 {
          %sub3A = arith.constant 16 : i32
          %sub3A_146 = arith.subi %mul3A_38, %sub3A : i32
          %mul3A_147 = arith.constant 2000 : i32
          %mul3A_148 = arith.muli %sub3A_146, %mul3A_147 : i32
          %add3A_149 = arith.addi %mul3A_2, %mul3A_148 : i32
          %dma_wait3A_150 = tpu.memref_slice %arg6[%add3A_149] : memref<327680xf32, #tpu.memory_space<hbm>> -> memref<2000xf32, #tpu.memory_space<hbm>>
          %dma_wait3A_151 = tpu.memref_slice %arg6[%add3A_149] : memref<327680xf32, #tpu.memory_space<hbm>> -> memref<2000xf32, #tpu.memory_space<hbm>>
          tpu.wait_dma2 semaphore(%arg22 : memref<!tpu.dma_semaphore, #tpu.memory_space<semaphore_mem>>) src(%arg16 : memref<2000xf32, #tpu.memory_space<vmem>>) dst(%dma_wait3A_151 : memref<2000xf32, #tpu.memory_space<hbm>>)
          %dma_wait3A_152 = tpu.memref_slice %arg7[%add3A_149] : memref<327680xf32, #tpu.memory_space<hbm>> -> memref<2000xf32, #tpu.memory_space<hbm>>
          %dma_wait3A_153 = tpu.memref_slice %arg7[%add3A_149] : memref<327680xf32, #tpu.memory_space<hbm>> -> memref<2000xf32, #tpu.memory_space<hbm>>
          tpu.wait_dma2 semaphore(%arg22 : memref<!tpu.dma_semaphore, #tpu.memory_space<semaphore_mem>>) src(%arg17 : memref<2000xf32, #tpu.memory_space<vmem>>) dst(%dma_wait3A_153 : memref<2000xf32, #tpu.memory_space<hbm>>)
        } else {
        }
        %scan3A_133 = arith.constant 0 : i32
        %scan3A_134 = arith.constant 0 : i32
        %scan3A_135 = arith.constant 125 : i32
        %scan3A_136 = arith.addi %scan3A_134, %scan3A_135 : i32
        %scan3A_137 = arith.constant 5 : i32
        scf.for %scan3A_146 = %scan3A_134 to %scan3A_136 step %scan3A_137  : i32 {
          %mul3A_147 = arith.constant 16 : i32
          %mul3A_148 = arith.muli %scan3A_146, %mul3A_147 : i32
          %get3A = arith.index_cast %mul3A_148 : i32 to index
          %get3A_149 = tpu.vector_load %arg10[%get3A] {strides = array<i32>} : memref<2000xi32, #tpu.memory_space<vmem>>, vector<16xi32>,
          %get3A_150 = arith.index_cast %mul3A_148 : i32 to index
          %get3A_151 = tpu.vector_load %arg12[%get3A_150] {strides = array<i32>} : memref<2000xi32, #tpu.memory_space<vmem>>, vector<16xi32>,
          %gather3A = tpu.vector_load_idx %arg9[%get3A_149] : memref<10000xf32, #tpu.memory_space<vmem>>[vector<16xi32>], vector<16xf32>,
          %swap3A = arith.index_cast %mul3A_148 : i32 to index
          %swap3A_152 = tpu.vector_load %arg16[%swap3A] {strides = array<i32>} : memref<2000xf32, #tpu.memory_space<vmem>>, vector<16xf32>,
          tpu.vector_store %arg16[%swap3A], %gather3A {strides = array<i32>} : memref<2000xf32, #tpu.memory_space<vmem>>, vector<16xf32>,
          %gather3A_153 = tpu.vector_load_idx %arg9[%get3A_151] : memref<10000xf32, #tpu.memory_space<vmem>>[vector<16xi32>], vector<16xf32>,
          %swap3A_154 = arith.index_cast %mul3A_148 : i32 to index
          %swap3A_155 = tpu.vector_load %arg17[%swap3A_154] {strides = array<i32>} : memref<2000xf32, #tpu.memory_space<vmem>>, vector<16xf32>,
          tpu.vector_store %arg17[%swap3A_154], %gather3A_153 {strides = array<i32>} : memref<2000xf32, #tpu.memory_space<vmem>>, vector<16xf32>,
          %scan3A_156 = arith.constant 1 : i32
          %scan3A_157 = arith.addi %scan3A_146, %scan3A_156 : i32
          %mul3A_158 = arith.constant 16 : i32
          %mul3A_159 = arith.muli %scan3A_157, %mul3A_158 : i32
          %get3A_160 = arith.index_cast %mul3A_159 : i32 to index
          %get3A_161 = tpu.vector_load %arg10[%get3A_160] {strides = array<i32>} : memref<2000xi32, #tpu.memory_space<vmem>>, vector<16xi32>,
          %get3A_162 = arith.index_cast %mul3A_159 : i32 to index
          %get3A_163 = tpu.vector_load %arg12[%get3A_162] {strides = array<i32>} : memref<2000xi32, #tpu.memory_space<vmem>>, vector<16xi32>,
          %gather3A_164 = tpu.vector_load_idx %arg9[%get3A_161] : memref<10000xf32, #tpu.memory_space<vmem>>[vector<16xi32>], vector<16xf32>,
          %swap3A_165 = arith.index_cast %mul3A_159 : i32 to index
          %swap3A_166 = tpu.vector_load %arg16[%swap3A_165] {strides = array<i32>} : memref<2000xf32, #tpu.memory_space<vmem>>, vector<16xf32>,
          tpu.vector_store %arg16[%swap3A_165], %gather3A_164 {strides = array<i32>} : memref<2000xf32, #tpu.memory_space<vmem>>, vector<16xf32>,
          %gather3A_167 = tpu.vector_load_idx %arg9[%get3A_163] : memref<10000xf32, #tpu.memory_space<vmem>>[vector<16xi32>], vector<16xf32>,
          %swap3A_168 = arith.index_cast %mul3A_159 : i32 to index
          %swap3A_169 = tpu.vector_load %arg17[%swap3A_168] {strides = array<i32>} : memref<2000xf32, #tpu.memory_space<vmem>>, vector<16xf32>,
          tpu.vector_store %arg17[%swap3A_168], %gather3A_167 {strides = array<i32>} : memref<2000xf32, #tpu.memory_space<vmem>>, vector<16xf32>,
          %scan3A_170 = arith.constant 2 : i32
          %scan3A_171 = arith.addi %scan3A_146, %scan3A_170 : i32
          %mul3A_172 = arith.constant 16 : i32
          %mul3A_173 = arith.muli %scan3A_171, %mul3A_172 : i32
          %get3A_174 = arith.index_cast %mul3A_173 : i32 to index
          %get3A_175 = tpu.vector_load %arg10[%get3A_174] {strides = array<i32>} : memref<2000xi32, #tpu.memory_space<vmem>>, vector<16xi32>,
          %get3A_176 = arith.index_cast %mul3A_173 : i32 to index
          %get3A_177 = tpu.vector_load %arg12[%get3A_176] {strides = array<i32>} : memref<2000xi32, #tpu.memory_space<vmem>>, vector<16xi32>,
          %gather3A_178 = tpu.vector_load_idx %arg9[%get3A_175] : memref<10000xf32, #tpu.memory_space<vmem>>[vector<16xi32>], vector<16xf32>,
          %swap3A_179 = arith.index_cast %mul3A_173 : i32 to index
          %swap3A_180 = tpu.vector_load %arg16[%swap3A_179] {strides = array<i32>} : memref<2000xf32, #tpu.memory_space<vmem>>, vector<16xf32>,
          tpu.vector_store %arg16[%swap3A_179], %gather3A_178 {strides = array<i32>} : memref<2000xf32, #tpu.memory_space<vmem>>, vector<16xf32>,
          %gather3A_181 = tpu.vector_load_idx %arg9[%get3A_177] : memref<10000xf32, #tpu.memory_space<vmem>>[vector<16xi32>], vector<16xf32>,
          %swap3A_182 = arith.index_cast %mul3A_173 : i32 to index
          %swap3A_183 = tpu.vector_load %arg17[%swap3A_182] {strides = array<i32>} : memref<2000xf32, #tpu.memory_space<vmem>>, vector<16xf32>,
          tpu.vector_store %arg17[%swap3A_182], %gather3A_181 {strides = array<i32>} : memref<2000xf32, #tpu.memory_space<vmem>>, vector<16xf32>,
          %scan3A_184 = arith.constant 3 : i32
          %scan3A_185 = arith.addi %scan3A_146, %scan3A_184 : i32
          %mul3A_186 = arith.constant 16 : i32
          %mul3A_187 = arith.muli %scan3A_185, %mul3A_186 : i32
          %get3A_188 = arith.index_cast %mul3A_187 : i32 to index
          %get3A_189 = tpu.vector_load %arg10[%get3A_188] {strides = array<i32>} : memref<2000xi32, #tpu.memory_space<vmem>>, vector<16xi32>,
          %get3A_190 = arith.index_cast %mul3A_187 : i32 to index
          %get3A_191 = tpu.vector_load %arg12[%get3A_190] {strides = array<i32>} : memref<2000xi32, #tpu.memory_space<vmem>>, vector<16xi32>,
          %gather3A_192 = tpu.vector_load_idx %arg9[%get3A_189] : memref<10000xf32, #tpu.memory_space<vmem>>[vector<16xi32>], vector<16xf32>,
          %swap3A_193 = arith.index_cast %mul3A_187 : i32 to index
          %swap3A_194 = tpu.vector_load %arg16[%swap3A_193] {strides = array<i32>} : memref<2000xf32, #tpu.memory_space<vmem>>, vector<16xf32>,
          tpu.vector_store %arg16[%swap3A_193], %gather3A_192 {strides = array<i32>} : memref<2000xf32, #tpu.memory_space<vmem>>, vector<16xf32>,
          %gather3A_195 = tpu.vector_load_idx %arg9[%get3A_191] : memref<10000xf32, #tpu.memory_space<vmem>>[vector<16xi32>], vector<16xf32>,
          %swap3A_196 = arith.index_cast %mul3A_187 : i32 to index
          %swap3A_197 = tpu.vector_load %arg17[%swap3A_196] {strides = array<i32>} : memref<2000xf32, #tpu.memory_space<vmem>>, vector<16xf32>,
          tpu.vector_store %arg17[%swap3A_196], %gather3A_195 {strides = array<i32>} : memref<2000xf32, #tpu.memory_space<vmem>>, vector<16xf32>,
          %scan3A_198 = arith.constant 4 : i32
          %scan3A_199 = arith.addi %scan3A_146, %scan3A_198 : i32
          %mul3A_200 = arith.constant 16 : i32
          %mul3A_201 = arith.muli %scan3A_199, %mul3A_200 : i32
          %get3A_202 = arith.index_cast %mul3A_201 : i32 to index
          %get3A_203 = tpu.vector_load %arg10[%get3A_202] {strides = array<i32>} : memref<2000xi32, #tpu.memory_space<vmem>>, vector<16xi32>,
          %get3A_204 = arith.index_cast %mul3A_201 : i32 to index
          %get3A_205 = tpu.vector_load %arg12[%get3A_204] {strides = array<i32>} : memref<2000xi32, #tpu.memory_space<vmem>>, vector<16xi32>,
          %gather3A_206 = tpu.vector_load_idx %arg9[%get3A_203] : memref<10000xf32, #tpu.memory_space<vmem>>[vector<16xi32>], vector<16xf32>,
          %swap3A_207 = arith.index_cast %mul3A_201 : i32 to index
          %swap3A_208 = tpu.vector_load %arg16[%swap3A_207] {strides = array<i32>} : memref<2000xf32, #tpu.memory_space<vmem>>, vector<16xf32>,
          tpu.vector_store %arg16[%swap3A_207], %gather3A_206 {strides = array<i32>} : memref<2000xf32, #tpu.memory_space<vmem>>, vector<16xf32>,
          %gather3A_209 = tpu.vector_load_idx %arg9[%get3A_205] : memref<10000xf32, #tpu.memory_space<vmem>>[vector<16xi32>], vector<16xf32>,
          %swap3A_210 = arith.index_cast %mul3A_201 : i32 to index
          %swap3A_211 = tpu.vector_load %arg17[%swap3A_210] {strides = array<i32>} : memref<2000xf32, #tpu.memory_space<vmem>>, vector<16xf32>,
          tpu.vector_store %arg17[%swap3A_210], %gather3A_209 {strides = array<i32>} : memref<2000xf32, #tpu.memory_space<vmem>>, vector<16xf32>,
        }
        %scan3A_138 = arith.constant 125 : i32
        %mul3A_139 = arith.constant 2000 : i32
        %mul3A_140 = arith.muli %mul3A_38, %mul3A_139 : i32
        %add3A_141 = arith.addi %mul3A_2, %mul3A_140 : i32
        %dma_start3A_142 = tpu.memref_slice %arg6[%add3A_141] : memref<327680xf32, #tpu.memory_space<hbm>> -> memref<2000xf32, #tpu.memory_space<hbm>>
        %dma_start3A_143 = tpu.memref_slice %arg6[%add3A_141] : memref<327680xf32, #tpu.memory_space<hbm>> -> memref<2000xf32, #tpu.memory_space<hbm>>
        tpu.enqueue_dma source(%arg16 : memref<2000xf32, #tpu.memory_space<vmem>>) target(%dma_start3A_143 : memref<2000xf32, #tpu.memory_space<hbm>>) target_semaphore(%arg22 : memref<!tpu.dma_semaphore, #tpu.memory_space<semaphore_mem>>)
        %dma_start3A_144 = tpu.memref_slice %arg7[%add3A_141] : memref<327680xf32, #tpu.memory_space<hbm>> -> memref<2000xf32, #tpu.memory_space<hbm>>
        %dma_start3A_145 = tpu.memref_slice %arg7[%add3A_141] : memref<327680xf32, #tpu.memory_space<hbm>> -> memref<2000xf32, #tpu.memory_space<hbm>>
        tpu.enqueue_dma source(%arg17 : memref<2000xf32, #tpu.memory_space<vmem>>) target(%dma_start3A_145 : memref<2000xf32, #tpu.memory_space<hbm>>) target_semaphore(%arg22 : memref<!tpu.dma_semaphore, #tpu.memory_space<semaphore_mem>>)
      } else {
      }
      %add3A_83 = arith.constant 1 : i32
      %add3A_84 = arith.addi %mul3A_38, %add3A_83 : i32
      %add3A_85 = arith.constant 2 : i32
      %add3A_86 = arith.addi %mul3A_38, %add3A_85 : i32
      %lt3A = arith.constant 80 : i32
      %lt3A_87 = arith.cmpi slt, %add3A_86, %lt3A : i32
      %mul3A_88 = arith.constant 2000 : i32
      %mul3A_89 = arith.muli %add3A_84, %mul3A_88 : i32
      %add3A_90 = arith.addi %mul3A_2, %mul3A_89 : i32
      %convert_element_type3A_91 = arith.extui %lt3A_87 : i1 to i32
      %cond3A_92 = arith.constant 0 : i32
      %cond3A_93 = arith.cmpi ne, %convert_element_type3A_91, %cond3A_92 : i32
      scf.if %cond3A_93 {
        %add3A_128 = arith.constant 1 : i32
        %add3A_129 = arith.addi %add3A_84, %add3A_128 : i32
        %mul3A_130 = arith.constant 2000 : i32
        %mul3A_131 = arith.muli %add3A_129, %mul3A_130 : i32
        %add3A_132 = arith.addi %mul3A_2, %mul3A_131 : i32
        %add3A_133 = arith.constant 320000 : i32
        %add3A_134 = arith.addi %add3A_133, %add3A_132 : i32
        %dma_start3A_135 = tpu.memref_slice %arg4[%add3A_132] : memref<640000xi32, #tpu.memory_space<hbm>> -> memref<2000xi32, #tpu.memory_space<hbm>>
        %dma_start3A_136 = tpu.memref_slice %arg4[%add3A_132] : memref<640000xi32, #tpu.memory_space<hbm>> -> memref<2000xi32, #tpu.memory_space<hbm>>
        tpu.enqueue_dma source(%dma_start3A_136 : memref<2000xi32, #tpu.memory_space<hbm>>) target(%arg10 : memref<2000xi32, #tpu.memory_space<vmem>>) target_semaphore(%arg18 : memref<!tpu.dma_semaphore, #tpu.memory_space<semaphore_mem>>)
        %dma_start3A_137 = tpu.memref_slice %arg4[%add3A_134] : memref<640000xi32, #tpu.memory_space<hbm>> -> memref<2000xi32, #tpu.memory_space<hbm>>
        %dma_start3A_138 = tpu.memref_slice %arg4[%add3A_134] : memref<640000xi32, #tpu.memory_space<hbm>> -> memref<2000xi32, #tpu.memory_space<hbm>>
        tpu.enqueue_dma source(%dma_start3A_138 : memref<2000xi32, #tpu.memory_space<hbm>>) target(%arg12 : memref<2000xi32, #tpu.memory_space<vmem>>) target_semaphore(%arg18 : memref<!tpu.dma_semaphore, #tpu.memory_space<semaphore_mem>>)
      } else {
      }
      %mul3A_94 = arith.constant 2000 : i32
      %mul3A_95 = arith.muli %add3A_84, %mul3A_94 : i32
      %add3A_96 = arith.addi %mul3A_2, %mul3A_95 : i32
      %add3A_97 = arith.constant 320000 : i32
      %add3A_98 = arith.addi %add3A_97, %add3A_96 : i32
      %dma_wait3A_99 = tpu.memref_slice %arg4[%add3A_96] : memref<640000xi32, #tpu.memory_space<hbm>> -> memref<2000xi32, #tpu.memory_space<hbm>>
      %dma_wait3A_100 = tpu.memref_slice %arg4[%add3A_96] : memref<640000xi32, #tpu.memory_space<hbm>> -> memref<2000xi32, #tpu.memory_space<hbm>>
      tpu.wait_dma2 semaphore(%arg19 : memref<!tpu.dma_semaphore, #tpu.memory_space<semaphore_mem>>) src(%dma_wait3A_100 : memref<2000xi32, #tpu.memory_space<hbm>>) dst(%arg11 : memref<2000xi32, #tpu.memory_space<vmem>>)
      %dma_wait3A_101 = tpu.memref_slice %arg4[%add3A_98] : memref<640000xi32, #tpu.memory_space<hbm>> -> memref<2000xi32, #tpu.memory_space<hbm>>
      %dma_wait3A_102 = tpu.memref_slice %arg4[%add3A_98] : memref<640000xi32, #tpu.memory_space<hbm>> -> memref<2000xi32, #tpu.memory_space<hbm>>
      tpu.wait_dma2 semaphore(%arg19 : memref<!tpu.dma_semaphore, #tpu.memory_space<semaphore_mem>>) src(%dma_wait3A_102 : memref<2000xi32, #tpu.memory_space<hbm>>) dst(%arg13 : memref<2000xi32, #tpu.memory_space<vmem>>)
      %ge3A_103 = arith.constant 2 : i32
      %ge3A_104 = arith.cmpi sge, %add3A_84, %ge3A_103 : i32
      %convert_element_type3A_105 = arith.extui %ge3A_104 : i1 to i32
      %cond3A_106 = arith.constant 0 : i32
      %cond3A_107 = arith.cmpi ne, %convert_element_type3A_105, %cond3A_106 : i32
      scf.if %cond3A_107 {
        %sub3A = arith.constant 2 : i32
        %sub3A_128 = arith.subi %add3A_84, %sub3A : i32
        %mul3A_129 = arith.constant 327680 : i32
        %mul3A_130 = arith.muli %arg1, %mul3A_129 : i32
        %add3A_131 = arith.addi %mul3A_130, %mul3A_2 : i32
        %mul3A_132 = arith.constant 2000 : i32
        %mul3A_133 = arith.muli %sub3A_128, %mul3A_132 : i32
        %add3A_134 = arith.addi %add3A_131, %mul3A_133 : i32
        %dma_wait3A_135 = tpu.memref_slice %arg5[%add3A_134] : memref<5242880xf32, #tpu.memory_space<hbm>> -> memref<2000xf32, #tpu.memory_space<hbm>>
        %dma_wait3A_136 = tpu.memref_slice %arg5[%add3A_134] : memref<5242880xf32, #tpu.memory_space<hbm>> -> memref<2000xf32, #tpu.memory_space<hbm>>
        tpu.wait_dma2 semaphore(%arg21 : memref<!tpu.dma_semaphore, #tpu.memory_space<semaphore_mem>>) src(%arg15 : memref<2000xf32, #tpu.memory_space<vmem>>) dst(%dma_wait3A_136 : memref<2000xf32, #tpu.memory_space<hbm>>)
      } else {
      }
      %scan3A_108 = arith.constant 0 : i32
      %scan3A_109 = arith.constant 0 : i32
      %scan3A_110 = arith.constant 125 : i32
      %scan3A_111 = arith.addi %scan3A_109, %scan3A_110 : i32
      %scan3A_112 = arith.constant 5 : i32
      scf.for %scan3A_128 = %scan3A_109 to %scan3A_111 step %scan3A_112  : i32 {
        %mul3A_129 = arith.constant 16 : i32
        %mul3A_130 = arith.muli %scan3A_128, %mul3A_129 : i32
        %get3A = arith.index_cast %mul3A_130 : i32 to index
        %get3A_131 = tpu.vector_load %arg11[%get3A] {strides = array<i32>} : memref<2000xi32, #tpu.memory_space<vmem>>, vector<16xi32>,
        %get3A_132 = arith.index_cast %mul3A_130 : i32 to index
        %get3A_133 = tpu.vector_load %arg13[%get3A_132] {strides = array<i32>} : memref<2000xi32, #tpu.memory_space<vmem>>, vector<16xi32>,
        %broadcast_in_dim3A = arith.constant 0.000000e+00 : f32
        %broadcast_in_dim3A_134 = vector.broadcast %broadcast_in_dim3A : f32 to vector<16xf32>
        %broadcast_in_dim3A_135 = arith.constant 0 : i32
        %broadcast_in_dim3A_136 = vector.broadcast %broadcast_in_dim3A_135 : i32 to vector<16xi32>
        %add3A_137 = arith.addi %get3A_131, %broadcast_in_dim3A_136 : vector<16xi32>
        %gather3A = tpu.vector_load_idx %arg8[%add3A_137] : memref<40000xi32, #tpu.memory_space<vmem>>[vector<16xi32>], vector<16xi32>,
        %add3A_138 = arith.addi %get3A_133, %broadcast_in_dim3A_136 : vector<16xi32>
        %gather3A_139 = tpu.vector_load_idx %arg8[%add3A_138] : memref<40000xi32, #tpu.memory_space<vmem>>[vector<16xi32>], vector<16xi32>,
        %bitcast3A = vector.bitcast %gather3A : vector<16xi32> to vector<32xbf16>
        %unpack3A = tpu.unpack_subelements %bitcast3A, 0 {pack_format = #tpu.pack_format<interleaved>} : vector<32xbf16> -> vector<16xf32>
        %unpack3A_140 = tpu.unpack_subelements %bitcast3A, 1 {pack_format = #tpu.pack_format<interleaved>} : vector<32xbf16> -> vector<16xf32>
        %bitcast3A_141 = vector.bitcast %gather3A_139 : vector<16xi32> to vector<32xbf16>
        %unpack3A_142 = tpu.unpack_subelements %bitcast3A_141, 0 {pack_format = #tpu.pack_format<interleaved>} : vector<32xbf16> -> vector<16xf32>
        %unpack3A_143 = tpu.unpack_subelements %bitcast3A_141, 1 {pack_format = #tpu.pack_format<interleaved>} : vector<32xbf16> -> vector<16xf32>
        %mul3A_144 = arith.mulf %unpack3A, %unpack3A_142 : vector<16xf32>
        %mul3A_145 = arith.mulf %unpack3A_140, %unpack3A_143 : vector<16xf32>
        %add3A_146 = arith.addf %mul3A_144, %mul3A_145 : vector<16xf32>
        %add3A_147 = arith.addf %broadcast_in_dim3A_134, %add3A_146 : vector<16xf32>
        %broadcast_in_dim3A_148 = arith.constant 10000 : i32
        %broadcast_in_dim3A_149 = vector.broadcast %broadcast_in_dim3A_148 : i32 to vector<16xi32>
        %add3A_150 = arith.addi %get3A_131, %broadcast_in_dim3A_149 : vector<16xi32>
        %gather3A_151 = tpu.vector_load_idx %arg8[%add3A_150] : memref<40000xi32, #tpu.memory_space<vmem>>[vector<16xi32>], vector<16xi32>,
        %add3A_152 = arith.addi %get3A_133, %broadcast_in_dim3A_149 : vector<16xi32>
        %gather3A_153 = tpu.vector_load_idx %arg8[%add3A_152] : memref<40000xi32, #tpu.memory_space<vmem>>[vector<16xi32>], vector<16xi32>,
        %bitcast3A_154 = vector.bitcast %gather3A_151 : vector<16xi32> to vector<32xbf16>
        %unpack3A_155 = tpu.unpack_subelements %bitcast3A_154, 0 {pack_format = #tpu.pack_format<interleaved>} : vector<32xbf16> -> vector<16xf32>
        %unpack3A_156 = tpu.unpack_subelements %bitcast3A_154, 1 {pack_format = #tpu.pack_format<interleaved>} : vector<32xbf16> -> vector<16xf32>
        %bitcast3A_157 = vector.bitcast %gather3A_153 : vector<16xi32> to vector<32xbf16>
        %unpack3A_158 = tpu.unpack_subelements %bitcast3A_157, 0 {pack_format = #tpu.pack_format<interleaved>} : vector<32xbf16> -> vector<16xf32>
        %unpack3A_159 = tpu.unpack_subelements %bitcast3A_157, 1 {pack_format = #tpu.pack_format<interleaved>} : vector<32xbf16> -> vector<16xf32>
        %mul3A_160 = arith.mulf %unpack3A_155, %unpack3A_158 : vector<16xf32>
        %mul3A_161 = arith.mulf %unpack3A_156, %unpack3A_159 : vector<16xf32>
        %add3A_162 = arith.addf %mul3A_160, %mul3A_161 : vector<16xf32>
        %add3A_163 = arith.addf %add3A_147, %add3A_162 : vector<16xf32>
        %broadcast_in_dim3A_164 = arith.constant 20000 : i32
        %broadcast_in_dim3A_165 = vector.broadcast %broadcast_in_dim3A_164 : i32 to vector<16xi32>
        %add3A_166 = arith.addi %get3A_131, %broadcast_in_dim3A_165 : vector<16xi32>
        %gather3A_167 = tpu.vector_load_idx %arg8[%add3A_166] : memref<40000xi32, #tpu.memory_space<vmem>>[vector<16xi32>], vector<16xi32>,
        %add3A_168 = arith.addi %get3A_133, %broadcast_in_dim3A_165 : vector<16xi32>
        %gather3A_169 = tpu.vector_load_idx %arg8[%add3A_168] : memref<40000xi32, #tpu.memory_space<vmem>>[vector<16xi32>], vector<16xi32>,
        %bitcast3A_170 = vector.bitcast %gather3A_167 : vector<16xi32> to vector<32xbf16>
        %unpack3A_171 = tpu.unpack_subelements %bitcast3A_170, 0 {pack_format = #tpu.pack_format<interleaved>} : vector<32xbf16> -> vector<16xf32>
        %unpack3A_172 = tpu.unpack_subelements %bitcast3A_170, 1 {pack_format = #tpu.pack_format<interleaved>} : vector<32xbf16> -> vector<16xf32>
        %bitcast3A_173 = vector.bitcast %gather3A_169 : vector<16xi32> to vector<32xbf16>
        %unpack3A_174 = tpu.unpack_subelements %bitcast3A_173, 0 {pack_format = #tpu.pack_format<interleaved>} : vector<32xbf16> -> vector<16xf32>
        %unpack3A_175 = tpu.unpack_subelements %bitcast3A_173, 1 {pack_format = #tpu.pack_format<interleaved>} : vector<32xbf16> -> vector<16xf32>
        %mul3A_176 = arith.mulf %unpack3A_171, %unpack3A_174 : vector<16xf32>
        %mul3A_177 = arith.mulf %unpack3A_172, %unpack3A_175 : vector<16xf32>
        %add3A_178 = arith.addf %mul3A_176, %mul3A_177 : vector<16xf32>
        %add3A_179 = arith.addf %add3A_163, %add3A_178 : vector<16xf32>
        %broadcast_in_dim3A_180 = arith.constant 30000 : i32
        %broadcast_in_dim3A_181 = vector.broadcast %broadcast_in_dim3A_180 : i32 to vector<16xi32>
        %add3A_182 = arith.addi %get3A_131, %broadcast_in_dim3A_181 : vector<16xi32>
        %gather3A_183 = tpu.vector_load_idx %arg8[%add3A_182] : memref<40000xi32, #tpu.memory_space<vmem>>[vector<16xi32>], vector<16xi32>,
        %add3A_184 = arith.addi %get3A_133, %broadcast_in_dim3A_181 : vector<16xi32>
        %gather3A_185 = tpu.vector_load_idx %arg8[%add3A_184] : memref<40000xi32, #tpu.memory_space<vmem>>[vector<16xi32>], vector<16xi32>,
        %bitcast3A_186 = vector.bitcast %gather3A_183 : vector<16xi32> to vector<32xbf16>
        %unpack3A_187 = tpu.unpack_subelements %bitcast3A_186, 0 {pack_format = #tpu.pack_format<interleaved>} : vector<32xbf16> -> vector<16xf32>
        %unpack3A_188 = tpu.unpack_subelements %bitcast3A_186, 1 {pack_format = #tpu.pack_format<interleaved>} : vector<32xbf16> -> vector<16xf32>
        %bitcast3A_189 = vector.bitcast %gather3A_185 : vector<16xi32> to vector<32xbf16>
        %unpack3A_190 = tpu.unpack_subelements %bitcast3A_189, 0 {pack_format = #tpu.pack_format<interleaved>} : vector<32xbf16> -> vector<16xf32>
        %unpack3A_191 = tpu.unpack_subelements %bitcast3A_189, 1 {pack_format = #tpu.pack_format<interleaved>} : vector<32xbf16> -> vector<16xf32>
        %mul3A_192 = arith.mulf %unpack3A_187, %unpack3A_190 : vector<16xf32>
        %mul3A_193 = arith.mulf %unpack3A_188, %unpack3A_191 : vector<16xf32>
        %add3A_194 = arith.addf %mul3A_192, %mul3A_193 : vector<16xf32>
        %add3A_195 = arith.addf %add3A_179, %add3A_194 : vector<16xf32>
        %swap3A = arith.index_cast %mul3A_130 : i32 to index
        %swap3A_196 = tpu.vector_load %arg15[%swap3A] {strides = array<i32>} : memref<2000xf32, #tpu.memory_space<vmem>>, vector<16xf32>,
        tpu.vector_store %arg15[%swap3A], %add3A_195 {strides = array<i32>} : memref<2000xf32, #tpu.memory_space<vmem>>, vector<16xf32>,
        %scan3A_197 = arith.constant 1 : i32
        %scan3A_198 = arith.addi %scan3A_128, %scan3A_197 : i32
        %mul3A_199 = arith.constant 16 : i32
        %mul3A_200 = arith.muli %scan3A_198, %mul3A_199 : i32
        %get3A_201 = arith.index_cast %mul3A_200 : i32 to index
        %get3A_202 = tpu.vector_load %arg11[%get3A_201] {strides = array<i32>} : memref<2000xi32, #tpu.memory_space<vmem>>, vector<16xi32>,
        %get3A_203 = arith.index_cast %mul3A_200 : i32 to index
        %get3A_204 = tpu.vector_load %arg13[%get3A_203] {strides = array<i32>} : memref<2000xi32, #tpu.memory_space<vmem>>, vector<16xi32>,
        %broadcast_in_dim3A_205 = arith.constant 0.000000e+00 : f32
        %broadcast_in_dim3A_206 = vector.broadcast %broadcast_in_dim3A_205 : f32 to vector<16xf32>
        %broadcast_in_dim3A_207 = arith.constant 0 : i32
        %broadcast_in_dim3A_208 = vector.broadcast %broadcast_in_dim3A_207 : i32 to vector<16xi32>
        %add3A_209 = arith.addi %get3A_202, %broadcast_in_dim3A_208 : vector<16xi32>
        %gather3A_210 = tpu.vector_load_idx %arg8[%add3A_209] : memref<40000xi32, #tpu.memory_space<vmem>>[vector<16xi32>], vector<16xi32>,
        %add3A_211 = arith.addi %get3A_204, %broadcast_in_dim3A_208 : vector<16xi32>
        %gather3A_212 = tpu.vector_load_idx %arg8[%add3A_211] : memref<40000xi32, #tpu.memory_space<vmem>>[vector<16xi32>], vector<16xi32>,
        %bitcast3A_213 = vector.bitcast %gather3A_210 : vector<16xi32> to vector<32xbf16>
        %unpack3A_214 = tpu.unpack_subelements %bitcast3A_213, 0 {pack_format = #tpu.pack_format<interleaved>} : vector<32xbf16> -> vector<16xf32>
        %unpack3A_215 = tpu.unpack_subelements %bitcast3A_213, 1 {pack_format = #tpu.pack_format<interleaved>} : vector<32xbf16> -> vector<16xf32>
        %bitcast3A_216 = vector.bitcast %gather3A_212 : vector<16xi32> to vector<32xbf16>
        %unpack3A_217 = tpu.unpack_subelements %bitcast3A_216, 0 {pack_format = #tpu.pack_format<interleaved>} : vector<32xbf16> -> vector<16xf32>
        %unpack3A_218 = tpu.unpack_subelements %bitcast3A_216, 1 {pack_format = #tpu.pack_format<interleaved>} : vector<32xbf16> -> vector<16xf32>
        %mul3A_219 = arith.mulf %unpack3A_214, %unpack3A_217 : vector<16xf32>
        %mul3A_220 = arith.mulf %unpack3A_215, %unpack3A_218 : vector<16xf32>
        %add3A_221 = arith.addf %mul3A_219, %mul3A_220 : vector<16xf32>
        %add3A_222 = arith.addf %broadcast_in_dim3A_206, %add3A_221 : vector<16xf32>
        %broadcast_in_dim3A_223 = arith.constant 10000 : i32
        %broadcast_in_dim3A_224 = vector.broadcast %broadcast_in_dim3A_223 : i32 to vector<16xi32>
        %add3A_225 = arith.addi %get3A_202, %broadcast_in_dim3A_224 : vector<16xi32>
        %gather3A_226 = tpu.vector_load_idx %arg8[%add3A_225] : memref<40000xi32, #tpu.memory_space<vmem>>[vector<16xi32>], vector<16xi32>,
        %add3A_227 = arith.addi %get3A_204, %broadcast_in_dim3A_224 : vector<16xi32>
        %gather3A_228 = tpu.vector_load_idx %arg8[%add3A_227] : memref<40000xi32, #tpu.memory_space<vmem>>[vector<16xi32>], vector<16xi32>,
        %bitcast3A_229 = vector.bitcast %gather3A_226 : vector<16xi32> to vector<32xbf16>
        %unpack3A_230 = tpu.unpack_subelements %bitcast3A_229, 0 {pack_format = #tpu.pack_format<interleaved>} : vector<32xbf16> -> vector<16xf32>
        %unpack3A_231 = tpu.unpack_subelements %bitcast3A_229, 1 {pack_format = #tpu.pack_format<interleaved>} : vector<32xbf16> -> vector<16xf32>
        %bitcast3A_232 = vector.bitcast %gather3A_228 : vector<16xi32> to vector<32xbf16>
        %unpack3A_233 = tpu.unpack_subelements %bitcast3A_232, 0 {pack_format = #tpu.pack_format<interleaved>} : vector<32xbf16> -> vector<16xf32>
        %unpack3A_234 = tpu.unpack_subelements %bitcast3A_232, 1 {pack_format = #tpu.pack_format<interleaved>} : vector<32xbf16> -> vector<16xf32>
        %mul3A_235 = arith.mulf %unpack3A_230, %unpack3A_233 : vector<16xf32>
        %mul3A_236 = arith.mulf %unpack3A_231, %unpack3A_234 : vector<16xf32>
        %add3A_237 = arith.addf %mul3A_235, %mul3A_236 : vector<16xf32>
        %add3A_238 = arith.addf %add3A_222, %add3A_237 : vector<16xf32>
        %broadcast_in_dim3A_239 = arith.constant 20000 : i32
        %broadcast_in_dim3A_240 = vector.broadcast %broadcast_in_dim3A_239 : i32 to vector<16xi32>
        %add3A_241 = arith.addi %get3A_202, %broadcast_in_dim3A_240 : vector<16xi32>
        %gather3A_242 = tpu.vector_load_idx %arg8[%add3A_241] : memref<40000xi32, #tpu.memory_space<vmem>>[vector<16xi32>], vector<16xi32>,
        %add3A_243 = arith.addi %get3A_204, %broadcast_in_dim3A_240 : vector<16xi32>
        %gather3A_244 = tpu.vector_load_idx %arg8[%add3A_243] : memref<40000xi32, #tpu.memory_space<vmem>>[vector<16xi32>], vector<16xi32>,
        %bitcast3A_245 = vector.bitcast %gather3A_242 : vector<16xi32> to vector<32xbf16>
        %unpack3A_246 = tpu.unpack_subelements %bitcast3A_245, 0 {pack_format = #tpu.pack_format<interleaved>} : vector<32xbf16> -> vector<16xf32>
        %unpack3A_247 = tpu.unpack_subelements %bitcast3A_245, 1 {pack_format = #tpu.pack_format<interleaved>} : vector<32xbf16> -> vector<16xf32>
        %bitcast3A_248 = vector.bitcast %gather3A_244 : vector<16xi32> to vector<32xbf16>
        %unpack3A_249 = tpu.unpack_subelements %bitcast3A_248, 0 {pack_format = #tpu.pack_format<interleaved>} : vector<32xbf16> -> vector<16xf32>
        %unpack3A_250 = tpu.unpack_subelements %bitcast3A_248, 1 {pack_format = #tpu.pack_format<interleaved>} : vector<32xbf16> -> vector<16xf32>
        %mul3A_251 = arith.mulf %unpack3A_246, %unpack3A_249 : vector<16xf32>
        %mul3A_252 = arith.mulf %unpack3A_247, %unpack3A_250 : vector<16xf32>
        %add3A_253 = arith.addf %mul3A_251, %mul3A_252 : vector<16xf32>
        %add3A_254 = arith.addf %add3A_238, %add3A_253 : vector<16xf32>
        %broadcast_in_dim3A_255 = arith.constant 30000 : i32
        %broadcast_in_dim3A_256 = vector.broadcast %broadcast_in_dim3A_255 : i32 to vector<16xi32>
        %add3A_257 = arith.addi %get3A_202, %broadcast_in_dim3A_256 : vector<16xi32>
        %gather3A_258 = tpu.vector_load_idx %arg8[%add3A_257] : memref<40000xi32, #tpu.memory_space<vmem>>[vector<16xi32>], vector<16xi32>,
        %add3A_259 = arith.addi %get3A_204, %broadcast_in_dim3A_256 : vector<16xi32>
        %gather3A_260 = tpu.vector_load_idx %arg8[%add3A_259] : memref<40000xi32, #tpu.memory_space<vmem>>[vector<16xi32>], vector<16xi32>,
        %bitcast3A_261 = vector.bitcast %gather3A_258 : vector<16xi32> to vector<32xbf16>
        %unpack3A_262 = tpu.unpack_subelements %bitcast3A_261, 0 {pack_format = #tpu.pack_format<interleaved>} : vector<32xbf16> -> vector<16xf32>
        %unpack3A_263 = tpu.unpack_subelements %bitcast3A_261, 1 {pack_format = #tpu.pack_format<interleaved>} : vector<32xbf16> -> vector<16xf32>
        %bitcast3A_264 = vector.bitcast %gather3A_260 : vector<16xi32> to vector<32xbf16>
        %unpack3A_265 = tpu.unpack_subelements %bitcast3A_264, 0 {pack_format = #tpu.pack_format<interleaved>} : vector<32xbf16> -> vector<16xf32>
        %unpack3A_266 = tpu.unpack_subelements %bitcast3A_264, 1 {pack_format = #tpu.pack_format<interleaved>} : vector<32xbf16> -> vector<16xf32>
        %mul3A_267 = arith.mulf %unpack3A_262, %unpack3A_265 : vector<16xf32>
        %mul3A_268 = arith.mulf %unpack3A_263, %unpack3A_266 : vector<16xf32>
        %add3A_269 = arith.addf %mul3A_267, %mul3A_268 : vector<16xf32>
        %add3A_270 = arith.addf %add3A_254, %add3A_269 : vector<16xf32>
        %swap3A_271 = arith.index_cast %mul3A_200 : i32 to index
        %swap3A_272 = tpu.vector_load %arg15[%swap3A_271] {strides = array<i32>} : memref<2000xf32, #tpu.memory_space<vmem>>, vector<16xf32>,
        tpu.vector_store %arg15[%swap3A_271], %add3A_270 {strides = array<i32>} : memref<2000xf32, #tpu.memory_space<vmem>>, vector<16xf32>,
        %scan3A_273 = arith.constant 2 : i32
        %scan3A_274 = arith.addi %scan3A_128, %scan3A_273 : i32
        %mul3A_275 = arith.constant 16 : i32
        %mul3A_276 = arith.muli %scan3A_274, %mul3A_275 : i32
        %get3A_277 = arith.index_cast %mul3A_276 : i32 to index
        %get3A_278 = tpu.vector_load %arg11[%get3A_277] {strides = array<i32>} : memref<2000xi32, #tpu.memory_space<vmem>>, vector<16xi32>,
        %get3A_279 = arith.index_cast %mul3A_276 : i32 to index
        %get3A_280 = tpu.vector_load %arg13[%get3A_279] {strides = array<i32>} : memref<2000xi32, #tpu.memory_space<vmem>>, vector<16xi32>,
        %broadcast_in_dim3A_281 = arith.constant 0.000000e+00 : f32
        %broadcast_in_dim3A_282 = vector.broadcast %broadcast_in_dim3A_281 : f32 to vector<16xf32>
        %broadcast_in_dim3A_283 = arith.constant 0 : i32
        %broadcast_in_dim3A_284 = vector.broadcast %broadcast_in_dim3A_283 : i32 to vector<16xi32>
        %add3A_285 = arith.addi %get3A_278, %broadcast_in_dim3A_284 : vector<16xi32>
        %gather3A_286 = tpu.vector_load_idx %arg8[%add3A_285] : memref<40000xi32, #tpu.memory_space<vmem>>[vector<16xi32>], vector<16xi32>,
        %add3A_287 = arith.addi %get3A_280, %broadcast_in_dim3A_284 : vector<16xi32>
        %gather3A_288 = tpu.vector_load_idx %arg8[%add3A_287] : memref<40000xi32, #tpu.memory_space<vmem>>[vector<16xi32>], vector<16xi32>,
        %bitcast3A_289 = vector.bitcast %gather3A_286 : vector<16xi32> to vector<32xbf16>
        %unpack3A_290 = tpu.unpack_subelements %bitcast3A_289, 0 {pack_format = #tpu.pack_format<interleaved>} : vector<32xbf16> -> vector<16xf32>
        %unpack3A_291 = tpu.unpack_subelements %bitcast3A_289, 1 {pack_format = #tpu.pack_format<interleaved>} : vector<32xbf16> -> vector<16xf32>
        %bitcast3A_292 = vector.bitcast %gather3A_288 : vector<16xi32> to vector<32xbf16>
        %unpack3A_293 = tpu.unpack_subelements %bitcast3A_292, 0 {pack_format = #tpu.pack_format<interleaved>} : vector<32xbf16> -> vector<16xf32>
        %unpack3A_294 = tpu.unpack_subelements %bitcast3A_292, 1 {pack_format = #tpu.pack_format<interleaved>} : vector<32xbf16> -> vector<16xf32>
        %mul3A_295 = arith.mulf %unpack3A_290, %unpack3A_293 : vector<16xf32>
        %mul3A_296 = arith.mulf %unpack3A_291, %unpack3A_294 : vector<16xf32>
        %add3A_297 = arith.addf %mul3A_295, %mul3A_296 : vector<16xf32>
        %add3A_298 = arith.addf %broadcast_in_dim3A_282, %add3A_297 : vector<16xf32>
        %broadcast_in_dim3A_299 = arith.constant 10000 : i32
        %broadcast_in_dim3A_300 = vector.broadcast %broadcast_in_dim3A_299 : i32 to vector<16xi32>
        %add3A_301 = arith.addi %get3A_278, %broadcast_in_dim3A_300 : vector<16xi32>
        %gather3A_302 = tpu.vector_load_idx %arg8[%add3A_301] : memref<40000xi32, #tpu.memory_space<vmem>>[vector<16xi32>], vector<16xi32>,
        %add3A_303 = arith.addi %get3A_280, %broadcast_in_dim3A_300 : vector<16xi32>
        %gather3A_304 = tpu.vector_load_idx %arg8[%add3A_303] : memref<40000xi32, #tpu.memory_space<vmem>>[vector<16xi32>], vector<16xi32>,
        %bitcast3A_305 = vector.bitcast %gather3A_302 : vector<16xi32> to vector<32xbf16>
        %unpack3A_306 = tpu.unpack_subelements %bitcast3A_305, 0 {pack_format = #tpu.pack_format<interleaved>} : vector<32xbf16> -> vector<16xf32>
        %unpack3A_307 = tpu.unpack_subelements %bitcast3A_305, 1 {pack_format = #tpu.pack_format<interleaved>} : vector<32xbf16> -> vector<16xf32>
        %bitcast3A_308 = vector.bitcast %gather3A_304 : vector<16xi32> to vector<32xbf16>
        %unpack3A_309 = tpu.unpack_subelements %bitcast3A_308, 0 {pack_format = #tpu.pack_format<interleaved>} : vector<32xbf16> -> vector<16xf32>
        %unpack3A_310 = tpu.unpack_subelements %bitcast3A_308, 1 {pack_format = #tpu.pack_format<interleaved>} : vector<32xbf16> -> vector<16xf32>
        %mul3A_311 = arith.mulf %unpack3A_306, %unpack3A_309 : vector<16xf32>
        %mul3A_312 = arith.mulf %unpack3A_307, %unpack3A_310 : vector<16xf32>
        %add3A_313 = arith.addf %mul3A_311, %mul3A_312 : vector<16xf32>
        %add3A_314 = arith.addf %add3A_298, %add3A_313 : vector<16xf32>
        %broadcast_in_dim3A_315 = arith.constant 20000 : i32
        %broadcast_in_dim3A_316 = vector.broadcast %broadcast_in_dim3A_315 : i32 to vector<16xi32>
        %add3A_317 = arith.addi %get3A_278, %broadcast_in_dim3A_316 : vector<16xi32>
        %gather3A_318 = tpu.vector_load_idx %arg8[%add3A_317] : memref<40000xi32, #tpu.memory_space<vmem>>[vector<16xi32>], vector<16xi32>,
        %add3A_319 = arith.addi %get3A_280, %broadcast_in_dim3A_316 : vector<16xi32>
        %gather3A_320 = tpu.vector_load_idx %arg8[%add3A_319] : memref<40000xi32, #tpu.memory_space<vmem>>[vector<16xi32>], vector<16xi32>,
        %bitcast3A_321 = vector.bitcast %gather3A_318 : vector<16xi32> to vector<32xbf16>
        %unpack3A_322 = tpu.unpack_subelements %bitcast3A_321, 0 {pack_format = #tpu.pack_format<interleaved>} : vector<32xbf16> -> vector<16xf32>
        %unpack3A_323 = tpu.unpack_subelements %bitcast3A_321, 1 {pack_format = #tpu.pack_format<interleaved>} : vector<32xbf16> -> vector<16xf32>
        %bitcast3A_324 = vector.bitcast %gather3A_320 : vector<16xi32> to vector<32xbf16>
        %unpack3A_325 = tpu.unpack_subelements %bitcast3A_324, 0 {pack_format = #tpu.pack_format<interleaved>} : vector<32xbf16> -> vector<16xf32>
        %unpack3A_326 = tpu.unpack_subelements %bitcast3A_324, 1 {pack_format = #tpu.pack_format<interleaved>} : vector<32xbf16> -> vector<16xf32>
        %mul3A_327 = arith.mulf %unpack3A_322, %unpack3A_325 : vector<16xf32>
        %mul3A_328 = arith.mulf %unpack3A_323, %unpack3A_326 : vector<16xf32>
        %add3A_329 = arith.addf %mul3A_327, %mul3A_328 : vector<16xf32>
        %add3A_330 = arith.addf %add3A_314, %add3A_329 : vector<16xf32>
        %broadcast_in_dim3A_331 = arith.constant 30000 : i32
        %broadcast_in_dim3A_332 = vector.broadcast %broadcast_in_dim3A_331 : i32 to vector<16xi32>
        %add3A_333 = arith.addi %get3A_278, %broadcast_in_dim3A_332 : vector<16xi32>
        %gather3A_334 = tpu.vector_load_idx %arg8[%add3A_333] : memref<40000xi32, #tpu.memory_space<vmem>>[vector<16xi32>], vector<16xi32>,
        %add3A_335 = arith.addi %get3A_280, %broadcast_in_dim3A_332 : vector<16xi32>
        %gather3A_336 = tpu.vector_load_idx %arg8[%add3A_335] : memref<40000xi32, #tpu.memory_space<vmem>>[vector<16xi32>], vector<16xi32>,
        %bitcast3A_337 = vector.bitcast %gather3A_334 : vector<16xi32> to vector<32xbf16>
        %unpack3A_338 = tpu.unpack_subelements %bitcast3A_337, 0 {pack_format = #tpu.pack_format<interleaved>} : vector<32xbf16> -> vector<16xf32>
        %unpack3A_339 = tpu.unpack_subelements %bitcast3A_337, 1 {pack_format = #tpu.pack_format<interleaved>} : vector<32xbf16> -> vector<16xf32>
        %bitcast3A_340 = vector.bitcast %gather3A_336 : vector<16xi32> to vector<32xbf16>
        %unpack3A_341 = tpu.unpack_subelements %bitcast3A_340, 0 {pack_format = #tpu.pack_format<interleaved>} : vector<32xbf16> -> vector<16xf32>
        %unpack3A_342 = tpu.unpack_subelements %bitcast3A_340, 1 {pack_format = #tpu.pack_format<interleaved>} : vector<32xbf16> -> vector<16xf32>
        %mul3A_343 = arith.mulf %unpack3A_338, %unpack3A_341 : vector<16xf32>
        %mul3A_344 = arith.mulf %unpack3A_339, %unpack3A_342 : vector<16xf32>
        %add3A_345 = arith.addf %mul3A_343, %mul3A_344 : vector<16xf32>
        %add3A_346 = arith.addf %add3A_330, %add3A_345 : vector<16xf32>
        %swap3A_347 = arith.index_cast %mul3A_276 : i32 to index
        %swap3A_348 = tpu.vector_load %arg15[%swap3A_347] {strides = array<i32>} : memref<2000xf32, #tpu.memory_space<vmem>>, vector<16xf32>,
        tpu.vector_store %arg15[%swap3A_347], %add3A_346 {strides = array<i32>} : memref<2000xf32, #tpu.memory_space<vmem>>, vector<16xf32>,
        %scan3A_349 = arith.constant 3 : i32
        %scan3A_350 = arith.addi %scan3A_128, %scan3A_349 : i32
        %mul3A_351 = arith.constant 16 : i32
        %mul3A_352 = arith.muli %scan3A_350, %mul3A_351 : i32
        %get3A_353 = arith.index_cast %mul3A_352 : i32 to index
        %get3A_354 = tpu.vector_load %arg11[%get3A_353] {strides = array<i32>} : memref<2000xi32, #tpu.memory_space<vmem>>, vector<16xi32>,
        %get3A_355 = arith.index_cast %mul3A_352 : i32 to index
        %get3A_356 = tpu.vector_load %arg13[%get3A_355] {strides = array<i32>} : memref<2000xi32, #tpu.memory_space<vmem>>, vector<16xi32>,
        %broadcast_in_dim3A_357 = arith.constant 0.000000e+00 : f32
        %broadcast_in_dim3A_358 = vector.broadcast %broadcast_in_dim3A_357 : f32 to vector<16xf32>
        %broadcast_in_dim3A_359 = arith.constant 0 : i32
        %broadcast_in_dim3A_360 = vector.broadcast %broadcast_in_dim3A_359 : i32 to vector<16xi32>
        %add3A_361 = arith.addi %get3A_354, %broadcast_in_dim3A_360 : vector<16xi32>
        %gather3A_362 = tpu.vector_load_idx %arg8[%add3A_361] : memref<40000xi32, #tpu.memory_space<vmem>>[vector<16xi32>], vector<16xi32>,
        %add3A_363 = arith.addi %get3A_356, %broadcast_in_dim3A_360 : vector<16xi32>
        %gather3A_364 = tpu.vector_load_idx %arg8[%add3A_363] : memref<40000xi32, #tpu.memory_space<vmem>>[vector<16xi32>], vector<16xi32>,
        %bitcast3A_365 = vector.bitcast %gather3A_362 : vector<16xi32> to vector<32xbf16>
        %unpack3A_366 = tpu.unpack_subelements %bitcast3A_365, 0 {pack_format = #tpu.pack_format<interleaved>} : vector<32xbf16> -> vector<16xf32>
        %unpack3A_367 = tpu.unpack_subelements %bitcast3A_365, 1 {pack_format = #tpu.pack_format<interleaved>} : vector<32xbf16> -> vector<16xf32>
        %bitcast3A_368 = vector.bitcast %gather3A_364 : vector<16xi32> to vector<32xbf16>
        %unpack3A_369 = tpu.unpack_subelements %bitcast3A_368, 0 {pack_format = #tpu.pack_format<interleaved>} : vector<32xbf16> -> vector<16xf32>
        %unpack3A_370 = tpu.unpack_subelements %bitcast3A_368, 1 {pack_format = #tpu.pack_format<interleaved>} : vector<32xbf16> -> vector<16xf32>
        %mul3A_371 = arith.mulf %unpack3A_366, %unpack3A_369 : vector<16xf32>
        %mul3A_372 = arith.mulf %unpack3A_367, %unpack3A_370 : vector<16xf32>
        %add3A_373 = arith.addf %mul3A_371, %mul3A_372 : vector<16xf32>
        %add3A_374 = arith.addf %broadcast_in_dim3A_358, %add3A_373 : vector<16xf32>
        %broadcast_in_dim3A_375 = arith.constant 10000 : i32
        %broadcast_in_dim3A_376 = vector.broadcast %broadcast_in_dim3A_375 : i32 to vector<16xi32>
        %add3A_377 = arith.addi %get3A_354, %broadcast_in_dim3A_376 : vector<16xi32>
        %gather3A_378 = tpu.vector_load_idx %arg8[%add3A_377] : memref<40000xi32, #tpu.memory_space<vmem>>[vector<16xi32>], vector<16xi32>,
        %add3A_379 = arith.addi %get3A_356, %broadcast_in_dim3A_376 : vector<16xi32>
        %gather3A_380 = tpu.vector_load_idx %arg8[%add3A_379] : memref<40000xi32, #tpu.memory_space<vmem>>[vector<16xi32>], vector<16xi32>,
        %bitcast3A_381 = vector.bitcast %gather3A_378 : vector<16xi32> to vector<32xbf16>
        %unpack3A_382 = tpu.unpack_subelements %bitcast3A_381, 0 {pack_format = #tpu.pack_format<interleaved>} : vector<32xbf16> -> vector<16xf32>
        %unpack3A_383 = tpu.unpack_subelements %bitcast3A_381, 1 {pack_format = #tpu.pack_format<interleaved>} : vector<32xbf16> -> vector<16xf32>
        %bitcast3A_384 = vector.bitcast %gather3A_380 : vector<16xi32> to vector<32xbf16>
        %unpack3A_385 = tpu.unpack_subelements %bitcast3A_384, 0 {pack_format = #tpu.pack_format<interleaved>} : vector<32xbf16> -> vector<16xf32>
        %unpack3A_386 = tpu.unpack_subelements %bitcast3A_384, 1 {pack_format = #tpu.pack_format<interleaved>} : vector<32xbf16> -> vector<16xf32>
        %mul3A_387 = arith.mulf %unpack3A_382, %unpack3A_385 : vector<16xf32>
        %mul3A_388 = arith.mulf %unpack3A_383, %unpack3A_386 : vector<16xf32>
        %add3A_389 = arith.addf %mul3A_387, %mul3A_388 : vector<16xf32>
        %add3A_390 = arith.addf %add3A_374, %add3A_389 : vector<16xf32>
        %broadcast_in_dim3A_391 = arith.constant 20000 : i32
        %broadcast_in_dim3A_392 = vector.broadcast %broadcast_in_dim3A_391 : i32 to vector<16xi32>
        %add3A_393 = arith.addi %get3A_354, %broadcast_in_dim3A_392 : vector<16xi32>
        %gather3A_394 = tpu.vector_load_idx %arg8[%add3A_393] : memref<40000xi32, #tpu.memory_space<vmem>>[vector<16xi32>], vector<16xi32>,
        %add3A_395 = arith.addi %get3A_356, %broadcast_in_dim3A_392 : vector<16xi32>
        %gather3A_396 = tpu.vector_load_idx %arg8[%add3A_395] : memref<40000xi32, #tpu.memory_space<vmem>>[vector<16xi32>], vector<16xi32>,
        %bitcast3A_397 = vector.bitcast %gather3A_394 : vector<16xi32> to vector<32xbf16>
        %unpack3A_398 = tpu.unpack_subelements %bitcast3A_397, 0 {pack_format = #tpu.pack_format<interleaved>} : vector<32xbf16> -> vector<16xf32>
        %unpack3A_399 = tpu.unpack_subelements %bitcast3A_397, 1 {pack_format = #tpu.pack_format<interleaved>} : vector<32xbf16> -> vector<16xf32>
        %bitcast3A_400 = vector.bitcast %gather3A_396 : vector<16xi32> to vector<32xbf16>
        %unpack3A_401 = tpu.unpack_subelements %bitcast3A_400, 0 {pack_format = #tpu.pack_format<interleaved>} : vector<32xbf16> -> vector<16xf32>
        %unpack3A_402 = tpu.unpack_subelements %bitcast3A_400, 1 {pack_format = #tpu.pack_format<interleaved>} : vector<32xbf16> -> vector<16xf32>
        %mul3A_403 = arith.mulf %unpack3A_398, %unpack3A_401 : vector<16xf32>
        %mul3A_404 = arith.mulf %unpack3A_399, %unpack3A_402 : vector<16xf32>
        %add3A_405 = arith.addf %mul3A_403, %mul3A_404 : vector<16xf32>
        %add3A_406 = arith.addf %add3A_390, %add3A_405 : vector<16xf32>
        %broadcast_in_dim3A_407 = arith.constant 30000 : i32
        %broadcast_in_dim3A_408 = vector.broadcast %broadcast_in_dim3A_407 : i32 to vector<16xi32>
        %add3A_409 = arith.addi %get3A_354, %broadcast_in_dim3A_408 : vector<16xi32>
        %gather3A_410 = tpu.vector_load_idx %arg8[%add3A_409] : memref<40000xi32, #tpu.memory_space<vmem>>[vector<16xi32>], vector<16xi32>,
        %add3A_411 = arith.addi %get3A_356, %broadcast_in_dim3A_408 : vector<16xi32>
        %gather3A_412 = tpu.vector_load_idx %arg8[%add3A_411] : memref<40000xi32, #tpu.memory_space<vmem>>[vector<16xi32>], vector<16xi32>,
        %bitcast3A_413 = vector.bitcast %gather3A_410 : vector<16xi32> to vector<32xbf16>
        %unpack3A_414 = tpu.unpack_subelements %bitcast3A_413, 0 {pack_format = #tpu.pack_format<interleaved>} : vector<32xbf16> -> vector<16xf32>
        %unpack3A_415 = tpu.unpack_subelements %bitcast3A_413, 1 {pack_format = #tpu.pack_format<interleaved>} : vector<32xbf16> -> vector<16xf32>
        %bitcast3A_416 = vector.bitcast %gather3A_412 : vector<16xi32> to vector<32xbf16>
        %unpack3A_417 = tpu.unpack_subelements %bitcast3A_416, 0 {pack_format = #tpu.pack_format<interleaved>} : vector<32xbf16> -> vector<16xf32>
        %unpack3A_418 = tpu.unpack_subelements %bitcast3A_416, 1 {pack_format = #tpu.pack_format<interleaved>} : vector<32xbf16> -> vector<16xf32>
        %mul3A_419 = arith.mulf %unpack3A_414, %unpack3A_417 : vector<16xf32>
        %mul3A_420 = arith.mulf %unpack3A_415, %unpack3A_418 : vector<16xf32>
        %add3A_421 = arith.addf %mul3A_419, %mul3A_420 : vector<16xf32>
        %add3A_422 = arith.addf %add3A_406, %add3A_421 : vector<16xf32>
        %swap3A_423 = arith.index_cast %mul3A_352 : i32 to index
        %swap3A_424 = tpu.vector_load %arg15[%swap3A_423] {strides = array<i32>} : memref<2000xf32, #tpu.memory_space<vmem>>, vector<16xf32>,
        tpu.vector_store %arg15[%swap3A_423], %add3A_422 {strides = array<i32>} : memref<2000xf32, #tpu.memory_space<vmem>>, vector<16xf32>,
        %scan3A_425 = arith.constant 4 : i32
        %scan3A_426 = arith.addi %scan3A_128, %scan3A_425 : i32
        %mul3A_427 = arith.constant 16 : i32
        %mul3A_428 = arith.muli %scan3A_426, %mul3A_427 : i32
        %get3A_429 = arith.index_cast %mul3A_428 : i32 to index
        %get3A_430 = tpu.vector_load %arg11[%get3A_429] {strides = array<i32>} : memref<2000xi32, #tpu.memory_space<vmem>>, vector<16xi32>,
        %get3A_431 = arith.index_cast %mul3A_428 : i32 to index
        %get3A_432 = tpu.vector_load %arg13[%get3A_431] {strides = array<i32>} : memref<2000xi32, #tpu.memory_space<vmem>>, vector<16xi32>,
        %broadcast_in_dim3A_433 = arith.constant 0.000000e+00 : f32
        %broadcast_in_dim3A_434 = vector.broadcast %broadcast_in_dim3A_433 : f32 to vector<16xf32>
        %broadcast_in_dim3A_435 = arith.constant 0 : i32
        %broadcast_in_dim3A_436 = vector.broadcast %broadcast_in_dim3A_435 : i32 to vector<16xi32>
        %add3A_437 = arith.addi %get3A_430, %broadcast_in_dim3A_436 : vector<16xi32>
        %gather3A_438 = tpu.vector_load_idx %arg8[%add3A_437] : memref<40000xi32, #tpu.memory_space<vmem>>[vector<16xi32>], vector<16xi32>,
        %add3A_439 = arith.addi %get3A_432, %broadcast_in_dim3A_436 : vector<16xi32>
        %gather3A_440 = tpu.vector_load_idx %arg8[%add3A_439] : memref<40000xi32, #tpu.memory_space<vmem>>[vector<16xi32>], vector<16xi32>,
        %bitcast3A_441 = vector.bitcast %gather3A_438 : vector<16xi32> to vector<32xbf16>
        %unpack3A_442 = tpu.unpack_subelements %bitcast3A_441, 0 {pack_format = #tpu.pack_format<interleaved>} : vector<32xbf16> -> vector<16xf32>
        %unpack3A_443 = tpu.unpack_subelements %bitcast3A_441, 1 {pack_format = #tpu.pack_format<interleaved>} : vector<32xbf16> -> vector<16xf32>
        %bitcast3A_444 = vector.bitcast %gather3A_440 : vector<16xi32> to vector<32xbf16>
        %unpack3A_445 = tpu.unpack_subelements %bitcast3A_444, 0 {pack_format = #tpu.pack_format<interleaved>} : vector<32xbf16> -> vector<16xf32>
        %unpack3A_446 = tpu.unpack_subelements %bitcast3A_444, 1 {pack_format = #tpu.pack_format<interleaved>} : vector<32xbf16> -> vector<16xf32>
        %mul3A_447 = arith.mulf %unpack3A_442, %unpack3A_445 : vector<16xf32>
        %mul3A_448 = arith.mulf %unpack3A_443, %unpack3A_446 : vector<16xf32>
        %add3A_449 = arith.addf %mul3A_447, %mul3A_448 : vector<16xf32>
        %add3A_450 = arith.addf %broadcast_in_dim3A_434, %add3A_449 : vector<16xf32>
        %broadcast_in_dim3A_451 = arith.constant 10000 : i32
        %broadcast_in_dim3A_452 = vector.broadcast %broadcast_in_dim3A_451 : i32 to vector<16xi32>
        %add3A_453 = arith.addi %get3A_430, %broadcast_in_dim3A_452 : vector<16xi32>
        %gather3A_454 = tpu.vector_load_idx %arg8[%add3A_453] : memref<40000xi32, #tpu.memory_space<vmem>>[vector<16xi32>], vector<16xi32>,
        %add3A_455 = arith.addi %get3A_432, %broadcast_in_dim3A_452 : vector<16xi32>
        %gather3A_456 = tpu.vector_load_idx %arg8[%add3A_455] : memref<40000xi32, #tpu.memory_space<vmem>>[vector<16xi32>], vector<16xi32>,
        %bitcast3A_457 = vector.bitcast %gather3A_454 : vector<16xi32> to vector<32xbf16>
        %unpack3A_458 = tpu.unpack_subelements %bitcast3A_457, 0 {pack_format = #tpu.pack_format<interleaved>} : vector<32xbf16> -> vector<16xf32>
        %unpack3A_459 = tpu.unpack_subelements %bitcast3A_457, 1 {pack_format = #tpu.pack_format<interleaved>} : vector<32xbf16> -> vector<16xf32>
        %bitcast3A_460 = vector.bitcast %gather3A_456 : vector<16xi32> to vector<32xbf16>
        %unpack3A_461 = tpu.unpack_subelements %bitcast3A_460, 0 {pack_format = #tpu.pack_format<interleaved>} : vector<32xbf16> -> vector<16xf32>
        %unpack3A_462 = tpu.unpack_subelements %bitcast3A_460, 1 {pack_format = #tpu.pack_format<interleaved>} : vector<32xbf16> -> vector<16xf32>
        %mul3A_463 = arith.mulf %unpack3A_458, %unpack3A_461 : vector<16xf32>
        %mul3A_464 = arith.mulf %unpack3A_459, %unpack3A_462 : vector<16xf32>
        %add3A_465 = arith.addf %mul3A_463, %mul3A_464 : vector<16xf32>
        %add3A_466 = arith.addf %add3A_450, %add3A_465 : vector<16xf32>
        %broadcast_in_dim3A_467 = arith.constant 20000 : i32
        %broadcast_in_dim3A_468 = vector.broadcast %broadcast_in_dim3A_467 : i32 to vector<16xi32>
        %add3A_469 = arith.addi %get3A_430, %broadcast_in_dim3A_468 : vector<16xi32>
        %gather3A_470 = tpu.vector_load_idx %arg8[%add3A_469] : memref<40000xi32, #tpu.memory_space<vmem>>[vector<16xi32>], vector<16xi32>,
        %add3A_471 = arith.addi %get3A_432, %broadcast_in_dim3A_468 : vector<16xi32>
        %gather3A_472 = tpu.vector_load_idx %arg8[%add3A_471] : memref<40000xi32, #tpu.memory_space<vmem>>[vector<16xi32>], vector<16xi32>,
        %bitcast3A_473 = vector.bitcast %gather3A_470 : vector<16xi32> to vector<32xbf16>
        %unpack3A_474 = tpu.unpack_subelements %bitcast3A_473, 0 {pack_format = #tpu.pack_format<interleaved>} : vector<32xbf16> -> vector<16xf32>
        %unpack3A_475 = tpu.unpack_subelements %bitcast3A_473, 1 {pack_format = #tpu.pack_format<interleaved>} : vector<32xbf16> -> vector<16xf32>
        %bitcast3A_476 = vector.bitcast %gather3A_472 : vector<16xi32> to vector<32xbf16>
        %unpack3A_477 = tpu.unpack_subelements %bitcast3A_476, 0 {pack_format = #tpu.pack_format<interleaved>} : vector<32xbf16> -> vector<16xf32>
        %unpack3A_478 = tpu.unpack_subelements %bitcast3A_476, 1 {pack_format = #tpu.pack_format<interleaved>} : vector<32xbf16> -> vector<16xf32>
        %mul3A_479 = arith.mulf %unpack3A_474, %unpack3A_477 : vector<16xf32>
        %mul3A_480 = arith.mulf %unpack3A_475, %unpack3A_478 : vector<16xf32>
        %add3A_481 = arith.addf %mul3A_479, %mul3A_480 : vector<16xf32>
        %add3A_482 = arith.addf %add3A_466, %add3A_481 : vector<16xf32>
        %broadcast_in_dim3A_483 = arith.constant 30000 : i32
        %broadcast_in_dim3A_484 = vector.broadcast %broadcast_in_dim3A_483 : i32 to vector<16xi32>
        %add3A_485 = arith.addi %get3A_430, %broadcast_in_dim3A_484 : vector<16xi32>
        %gather3A_486 = tpu.vector_load_idx %arg8[%add3A_485] : memref<40000xi32, #tpu.memory_space<vmem>>[vector<16xi32>], vector<16xi32>,
        %add3A_487 = arith.addi %get3A_432, %broadcast_in_dim3A_484 : vector<16xi32>
        %gather3A_488 = tpu.vector_load_idx %arg8[%add3A_487] : memref<40000xi32, #tpu.memory_space<vmem>>[vector<16xi32>], vector<16xi32>,
        %bitcast3A_489 = vector.bitcast %gather3A_486 : vector<16xi32> to vector<32xbf16>
        %unpack3A_490 = tpu.unpack_subelements %bitcast3A_489, 0 {pack_format = #tpu.pack_format<interleaved>} : vector<32xbf16> -> vector<16xf32>
        %unpack3A_491 = tpu.unpack_subelements %bitcast3A_489, 1 {pack_format = #tpu.pack_format<interleaved>} : vector<32xbf16> -> vector<16xf32>
        %bitcast3A_492 = vector.bitcast %gather3A_488 : vector<16xi32> to vector<32xbf16>
        %unpack3A_493 = tpu.unpack_subelements %bitcast3A_492, 0 {pack_format = #tpu.pack_format<interleaved>} : vector<32xbf16> -> vector<16xf32>
        %unpack3A_494 = tpu.unpack_subelements %bitcast3A_492, 1 {pack_format = #tpu.pack_format<interleaved>} : vector<32xbf16> -> vector<16xf32>
        %mul3A_495 = arith.mulf %unpack3A_490, %unpack3A_493 : vector<16xf32>
        %mul3A_496 = arith.mulf %unpack3A_491, %unpack3A_494 : vector<16xf32>
        %add3A_497 = arith.addf %mul3A_495, %mul3A_496 : vector<16xf32>
        %add3A_498 = arith.addf %add3A_482, %add3A_497 : vector<16xf32>
        %swap3A_499 = arith.index_cast %mul3A_428 : i32 to index
        %swap3A_500 = tpu.vector_load %arg15[%swap3A_499] {strides = array<i32>} : memref<2000xf32, #tpu.memory_space<vmem>>, vector<16xf32>,
        tpu.vector_store %arg15[%swap3A_499], %add3A_498 {strides = array<i32>} : memref<2000xf32, #tpu.memory_space<vmem>>, vector<16xf32>,
      }
      %scan3A_113 = arith.constant 125 : i32
      %mul3A_114 = arith.constant 327680 : i32
      %mul3A_115 = arith.muli %arg1, %mul3A_114 : i32
      %add3A_116 = arith.addi %mul3A_115, %mul3A_2 : i32
      %mul3A_117 = arith.constant 2000 : i32
      %mul3A_118 = arith.muli %add3A_84, %mul3A_117 : i32
      %add3A_119 = arith.addi %add3A_116, %mul3A_118 : i32
      %dma_start3A_120 = tpu.memref_slice %arg5[%add3A_119] : memref<5242880xf32, #tpu.memory_space<hbm>> -> memref<2000xf32, #tpu.memory_space<hbm>>
      %dma_start3A_121 = tpu.memref_slice %arg5[%add3A_119] : memref<5242880xf32, #tpu.memory_space<hbm>> -> memref<2000xf32, #tpu.memory_space<hbm>>
      tpu.enqueue_dma source(%arg15 : memref<2000xf32, #tpu.memory_space<vmem>>) target(%dma_start3A_121 : memref<2000xf32, #tpu.memory_space<hbm>>) target_semaphore(%arg21 : memref<!tpu.dma_semaphore, #tpu.memory_space<semaphore_mem>>)
      %rem3A_122 = arith.constant 16 : i32
      %rem3A_123 = arith.remsi %add3A_84, %rem3A_122 : i32
      %eq3A_124 = arith.cmpi eq, %rem3A_123, %arg1 : i32
      %convert_element_type3A_125 = arith.extui %eq3A_124 : i1 to i32
      %cond3A_126 = arith.constant 0 : i32
      %cond3A_127 = arith.cmpi ne, %convert_element_type3A_125, %cond3A_126 : i32
      scf.if %cond3A_127 {
        %ge3A_128 = arith.constant 16 : i32
        %ge3A_129 = arith.cmpi sge, %add3A_84, %ge3A_128 : i32
        %convert_element_type3A_130 = arith.extui %ge3A_129 : i1 to i32
        %cond3A_131 = arith.constant 0 : i32
        %cond3A_132 = arith.cmpi ne, %convert_element_type3A_130, %cond3A_131 : i32
        scf.if %cond3A_132 {
          %sub3A = arith.constant 16 : i32
          %sub3A_146 = arith.subi %add3A_84, %sub3A : i32
          %mul3A_147 = arith.constant 2000 : i32
          %mul3A_148 = arith.muli %sub3A_146, %mul3A_147 : i32
          %add3A_149 = arith.addi %mul3A_2, %mul3A_148 : i32
          %dma_wait3A_150 = tpu.memref_slice %arg6[%add3A_149] : memref<327680xf32, #tpu.memory_space<hbm>> -> memref<2000xf32, #tpu.memory_space<hbm>>
          %dma_wait3A_151 = tpu.memref_slice %arg6[%add3A_149] : memref<327680xf32, #tpu.memory_space<hbm>> -> memref<2000xf32, #tpu.memory_space<hbm>>
          tpu.wait_dma2 semaphore(%arg22 : memref<!tpu.dma_semaphore, #tpu.memory_space<semaphore_mem>>) src(%arg16 : memref<2000xf32, #tpu.memory_space<vmem>>) dst(%dma_wait3A_151 : memref<2000xf32, #tpu.memory_space<hbm>>)
          %dma_wait3A_152 = tpu.memref_slice %arg7[%add3A_149] : memref<327680xf32, #tpu.memory_space<hbm>> -> memref<2000xf32, #tpu.memory_space<hbm>>
          %dma_wait3A_153 = tpu.memref_slice %arg7[%add3A_149] : memref<327680xf32, #tpu.memory_space<hbm>> -> memref<2000xf32, #tpu.memory_space<hbm>>
          tpu.wait_dma2 semaphore(%arg22 : memref<!tpu.dma_semaphore, #tpu.memory_space<semaphore_mem>>) src(%arg17 : memref<2000xf32, #tpu.memory_space<vmem>>) dst(%dma_wait3A_153 : memref<2000xf32, #tpu.memory_space<hbm>>)
        } else {
        }
        %scan3A_133 = arith.constant 0 : i32
        %scan3A_134 = arith.constant 0 : i32
        %scan3A_135 = arith.constant 125 : i32
        %scan3A_136 = arith.addi %scan3A_134, %scan3A_135 : i32
        %scan3A_137 = arith.constant 5 : i32
        scf.for %scan3A_146 = %scan3A_134 to %scan3A_136 step %scan3A_137  : i32 {
          %mul3A_147 = arith.constant 16 : i32
          %mul3A_148 = arith.muli %scan3A_146, %mul3A_147 : i32
          %get3A = arith.index_cast %mul3A_148 : i32 to index
          %get3A_149 = tpu.vector_load %arg11[%get3A] {strides = array<i32>} : memref<2000xi32, #tpu.memory_space<vmem>>, vector<16xi32>,
          %get3A_150 = arith.index_cast %mul3A_148 : i32 to index
          %get3A_151 = tpu.vector_load %arg13[%get3A_150] {strides = array<i32>} : memref<2000xi32, #tpu.memory_space<vmem>>, vector<16xi32>,
          %gather3A = tpu.vector_load_idx %arg9[%get3A_149] : memref<10000xf32, #tpu.memory_space<vmem>>[vector<16xi32>], vector<16xf32>,
          %swap3A = arith.index_cast %mul3A_148 : i32 to index
          %swap3A_152 = tpu.vector_load %arg16[%swap3A] {strides = array<i32>} : memref<2000xf32, #tpu.memory_space<vmem>>, vector<16xf32>,
          tpu.vector_store %arg16[%swap3A], %gather3A {strides = array<i32>} : memref<2000xf32, #tpu.memory_space<vmem>>, vector<16xf32>,
          %gather3A_153 = tpu.vector_load_idx %arg9[%get3A_151] : memref<10000xf32, #tpu.memory_space<vmem>>[vector<16xi32>], vector<16xf32>,
          %swap3A_154 = arith.index_cast %mul3A_148 : i32 to index
          %swap3A_155 = tpu.vector_load %arg17[%swap3A_154] {strides = array<i32>} : memref<2000xf32, #tpu.memory_space<vmem>>, vector<16xf32>,
          tpu.vector_store %arg17[%swap3A_154], %gather3A_153 {strides = array<i32>} : memref<2000xf32, #tpu.memory_space<vmem>>, vector<16xf32>,
          %scan3A_156 = arith.constant 1 : i32
          %scan3A_157 = arith.addi %scan3A_146, %scan3A_156 : i32
          %mul3A_158 = arith.constant 16 : i32
          %mul3A_159 = arith.muli %scan3A_157, %mul3A_158 : i32
          %get3A_160 = arith.index_cast %mul3A_159 : i32 to index
          %get3A_161 = tpu.vector_load %arg11[%get3A_160] {strides = array<i32>} : memref<2000xi32, #tpu.memory_space<vmem>>, vector<16xi32>,
          %get3A_162 = arith.index_cast %mul3A_159 : i32 to index
          %get3A_163 = tpu.vector_load %arg13[%get3A_162] {strides = array<i32>} : memref<2000xi32, #tpu.memory_space<vmem>>, vector<16xi32>,
          %gather3A_164 = tpu.vector_load_idx %arg9[%get3A_161] : memref<10000xf32, #tpu.memory_space<vmem>>[vector<16xi32>], vector<16xf32>,
          %swap3A_165 = arith.index_cast %mul3A_159 : i32 to index
          %swap3A_166 = tpu.vector_load %arg16[%swap3A_165] {strides = array<i32>} : memref<2000xf32, #tpu.memory_space<vmem>>, vector<16xf32>,
          tpu.vector_store %arg16[%swap3A_165], %gather3A_164 {strides = array<i32>} : memref<2000xf32, #tpu.memory_space<vmem>>, vector<16xf32>,
          %gather3A_167 = tpu.vector_load_idx %arg9[%get3A_163] : memref<10000xf32, #tpu.memory_space<vmem>>[vector<16xi32>], vector<16xf32>,
          %swap3A_168 = arith.index_cast %mul3A_159 : i32 to index
          %swap3A_169 = tpu.vector_load %arg17[%swap3A_168] {strides = array<i32>} : memref<2000xf32, #tpu.memory_space<vmem>>, vector<16xf32>,
          tpu.vector_store %arg17[%swap3A_168], %gather3A_167 {strides = array<i32>} : memref<2000xf32, #tpu.memory_space<vmem>>, vector<16xf32>,
          %scan3A_170 = arith.constant 2 : i32
          %scan3A_171 = arith.addi %scan3A_146, %scan3A_170 : i32
          %mul3A_172 = arith.constant 16 : i32
          %mul3A_173 = arith.muli %scan3A_171, %mul3A_172 : i32
          %get3A_174 = arith.index_cast %mul3A_173 : i32 to index
          %get3A_175 = tpu.vector_load %arg11[%get3A_174] {strides = array<i32>} : memref<2000xi32, #tpu.memory_space<vmem>>, vector<16xi32>,
          %get3A_176 = arith.index_cast %mul3A_173 : i32 to index
          %get3A_177 = tpu.vector_load %arg13[%get3A_176] {strides = array<i32>} : memref<2000xi32, #tpu.memory_space<vmem>>, vector<16xi32>,
          %gather3A_178 = tpu.vector_load_idx %arg9[%get3A_175] : memref<10000xf32, #tpu.memory_space<vmem>>[vector<16xi32>], vector<16xf32>,
          %swap3A_179 = arith.index_cast %mul3A_173 : i32 to index
          %swap3A_180 = tpu.vector_load %arg16[%swap3A_179] {strides = array<i32>} : memref<2000xf32, #tpu.memory_space<vmem>>, vector<16xf32>,
          tpu.vector_store %arg16[%swap3A_179], %gather3A_178 {strides = array<i32>} : memref<2000xf32, #tpu.memory_space<vmem>>, vector<16xf32>,
          %gather3A_181 = tpu.vector_load_idx %arg9[%get3A_177] : memref<10000xf32, #tpu.memory_space<vmem>>[vector<16xi32>], vector<16xf32>,
          %swap3A_182 = arith.index_cast %mul3A_173 : i32 to index
          %swap3A_183 = tpu.vector_load %arg17[%swap3A_182] {strides = array<i32>} : memref<2000xf32, #tpu.memory_space<vmem>>, vector<16xf32>,
          tpu.vector_store %arg17[%swap3A_182], %gather3A_181 {strides = array<i32>} : memref<2000xf32, #tpu.memory_space<vmem>>, vector<16xf32>,
          %scan3A_184 = arith.constant 3 : i32
          %scan3A_185 = arith.addi %scan3A_146, %scan3A_184 : i32
          %mul3A_186 = arith.constant 16 : i32
          %mul3A_187 = arith.muli %scan3A_185, %mul3A_186 : i32
          %get3A_188 = arith.index_cast %mul3A_187 : i32 to index
          %get3A_189 = tpu.vector_load %arg11[%get3A_188] {strides = array<i32>} : memref<2000xi32, #tpu.memory_space<vmem>>, vector<16xi32>,
          %get3A_190 = arith.index_cast %mul3A_187 : i32 to index
          %get3A_191 = tpu.vector_load %arg13[%get3A_190] {strides = array<i32>} : memref<2000xi32, #tpu.memory_space<vmem>>, vector<16xi32>,
          %gather3A_192 = tpu.vector_load_idx %arg9[%get3A_189] : memref<10000xf32, #tpu.memory_space<vmem>>[vector<16xi32>], vector<16xf32>,
          %swap3A_193 = arith.index_cast %mul3A_187 : i32 to index
          %swap3A_194 = tpu.vector_load %arg16[%swap3A_193] {strides = array<i32>} : memref<2000xf32, #tpu.memory_space<vmem>>, vector<16xf32>,
          tpu.vector_store %arg16[%swap3A_193], %gather3A_192 {strides = array<i32>} : memref<2000xf32, #tpu.memory_space<vmem>>, vector<16xf32>,
          %gather3A_195 = tpu.vector_load_idx %arg9[%get3A_191] : memref<10000xf32, #tpu.memory_space<vmem>>[vector<16xi32>], vector<16xf32>,
          %swap3A_196 = arith.index_cast %mul3A_187 : i32 to index
          %swap3A_197 = tpu.vector_load %arg17[%swap3A_196] {strides = array<i32>} : memref<2000xf32, #tpu.memory_space<vmem>>, vector<16xf32>,
          tpu.vector_store %arg17[%swap3A_196], %gather3A_195 {strides = array<i32>} : memref<2000xf32, #tpu.memory_space<vmem>>, vector<16xf32>,
          %scan3A_198 = arith.constant 4 : i32
          %scan3A_199 = arith.addi %scan3A_146, %scan3A_198 : i32
          %mul3A_200 = arith.constant 16 : i32
          %mul3A_201 = arith.muli %scan3A_199, %mul3A_200 : i32
          %get3A_202 = arith.index_cast %mul3A_201 : i32 to index
          %get3A_203 = tpu.vector_load %arg11[%get3A_202] {strides = array<i32>} : memref<2000xi32, #tpu.memory_space<vmem>>, vector<16xi32>,
          %get3A_204 = arith.index_cast %mul3A_201 : i32 to index
          %get3A_205 = tpu.vector_load %arg13[%get3A_204] {strides = array<i32>} : memref<2000xi32, #tpu.memory_space<vmem>>, vector<16xi32>,
          %gather3A_206 = tpu.vector_load_idx %arg9[%get3A_203] : memref<10000xf32, #tpu.memory_space<vmem>>[vector<16xi32>], vector<16xf32>,
          %swap3A_207 = arith.index_cast %mul3A_201 : i32 to index
          %swap3A_208 = tpu.vector_load %arg16[%swap3A_207] {strides = array<i32>} : memref<2000xf32, #tpu.memory_space<vmem>>, vector<16xf32>,
          tpu.vector_store %arg16[%swap3A_207], %gather3A_206 {strides = array<i32>} : memref<2000xf32, #tpu.memory_space<vmem>>, vector<16xf32>,
          %gather3A_209 = tpu.vector_load_idx %arg9[%get3A_205] : memref<10000xf32, #tpu.memory_space<vmem>>[vector<16xi32>], vector<16xf32>,
          %swap3A_210 = arith.index_cast %mul3A_201 : i32 to index
          %swap3A_211 = tpu.vector_load %arg17[%swap3A_210] {strides = array<i32>} : memref<2000xf32, #tpu.memory_space<vmem>>, vector<16xf32>,
          tpu.vector_store %arg17[%swap3A_210], %gather3A_209 {strides = array<i32>} : memref<2000xf32, #tpu.memory_space<vmem>>, vector<16xf32>,
        }
        %scan3A_138 = arith.constant 125 : i32
        %mul3A_139 = arith.constant 2000 : i32
        %mul3A_140 = arith.muli %add3A_84, %mul3A_139 : i32
        %add3A_141 = arith.addi %mul3A_2, %mul3A_140 : i32
        %dma_start3A_142 = tpu.memref_slice %arg6[%add3A_141] : memref<327680xf32, #tpu.memory_space<hbm>> -> memref<2000xf32, #tpu.memory_space<hbm>>
        %dma_start3A_143 = tpu.memref_slice %arg6[%add3A_141] : memref<327680xf32, #tpu.memory_space<hbm>> -> memref<2000xf32, #tpu.memory_space<hbm>>
        tpu.enqueue_dma source(%arg16 : memref<2000xf32, #tpu.memory_space<vmem>>) target(%dma_start3A_143 : memref<2000xf32, #tpu.memory_space<hbm>>) target_semaphore(%arg22 : memref<!tpu.dma_semaphore, #tpu.memory_space<semaphore_mem>>)
        %dma_start3A_144 = tpu.memref_slice %arg7[%add3A_141] : memref<327680xf32, #tpu.memory_space<hbm>> -> memref<2000xf32, #tpu.memory_space<hbm>>
        %dma_start3A_145 = tpu.memref_slice %arg7[%add3A_141] : memref<327680xf32, #tpu.memory_space<hbm>> -> memref<2000xf32, #tpu.memory_space<hbm>>
        tpu.enqueue_dma source(%arg17 : memref<2000xf32, #tpu.memory_space<vmem>>) target(%dma_start3A_145 : memref<2000xf32, #tpu.memory_space<hbm>>) target_semaphore(%arg22 : memref<!tpu.dma_semaphore, #tpu.memory_space<semaphore_mem>>)
      } else {
      }
    }
    %scan3A_13 = arith.constant 40 : i32
    %mul3A_14 = arith.constant 327680 : i32
    %mul3A_15 = arith.muli %arg1, %mul3A_14 : i32
    %add3A_16 = arith.addi %mul3A_15, %mul3A_2 : i32
    %add3A_17 = arith.constant 156000 : i32
    %add3A_18 = arith.addi %add3A_16, %add3A_17 : i32
    %dma_wait3A = tpu.memref_slice %arg5[%add3A_18] : memref<5242880xf32, #tpu.memory_space<hbm>> -> memref<2000xf32, #tpu.memory_space<hbm>>
    %dma_wait3A_19 = tpu.memref_slice %arg5[%add3A_18] : memref<5242880xf32, #tpu.memory_space<hbm>> -> memref<2000xf32, #tpu.memory_space<hbm>>
    tpu.wait_dma2 semaphore(%arg20 : memref<!tpu.dma_semaphore, #tpu.memory_space<semaphore_mem>>) src(%arg14 : memref<2000xf32, #tpu.memory_space<vmem>>) dst(%dma_wait3A_19 : memref<2000xf32, #tpu.memory_space<hbm>>)
    %mul3A_20 = arith.constant 327680 : i32
    %mul3A_21 = arith.muli %arg1, %mul3A_20 : i32
    %add3A_22 = arith.addi %mul3A_21, %mul3A_2 : i32
    %add3A_23 = arith.constant 158000 : i32
    %add3A_24 = arith.addi %add3A_22, %add3A_23 : i32
    %dma_wait3A_25 = tpu.memref_slice %arg5[%add3A_24] : memref<5242880xf32, #tpu.memory_space<hbm>> -> memref<2000xf32, #tpu.memory_space<hbm>>
    %dma_wait3A_26 = tpu.memref_slice %arg5[%add3A_24] : memref<5242880xf32, #tpu.memory_space<hbm>> -> memref<2000xf32, #tpu.memory_space<hbm>>
    tpu.wait_dma2 semaphore(%arg21 : memref<!tpu.dma_semaphore, #tpu.memory_space<semaphore_mem>>) src(%arg15 : memref<2000xf32, #tpu.memory_space<vmem>>) dst(%dma_wait3A_26 : memref<2000xf32, #tpu.memory_space<hbm>>)
    %add3A_27 = arith.constant 64 : i32
    %add3A_28 = arith.addi %add3A_27, %arg1 : i32
    %mul3A_29 = arith.constant 2000 : i32
    %mul3A_30 = arith.muli %add3A_28, %mul3A_29 : i32
    %add3A_31 = arith.addi %mul3A_2, %mul3A_30 : i32
    %dma_wait3A_32 = tpu.memref_slice %arg6[%add3A_31] : memref<327680xf32, #tpu.memory_space<hbm>> -> memref<2000xf32, #tpu.memory_space<hbm>>
    %dma_wait3A_33 = tpu.memref_slice %arg6[%add3A_31] : memref<327680xf32, #tpu.memory_space<hbm>> -> memref<2000xf32, #tpu.memory_space<hbm>>
    tpu.wait_dma2 semaphore(%arg22 : memref<!tpu.dma_semaphore, #tpu.memory_space<semaphore_mem>>) src(%arg16 : memref<2000xf32, #tpu.memory_space<vmem>>) dst(%dma_wait3A_33 : memref<2000xf32, #tpu.memory_space<hbm>>)
    %dma_wait3A_34 = tpu.memref_slice %arg7[%add3A_31] : memref<327680xf32, #tpu.memory_space<hbm>> -> memref<2000xf32, #tpu.memory_space<hbm>>
    %dma_wait3A_35 = tpu.memref_slice %arg7[%add3A_31] : memref<327680xf32, #tpu.memory_space<hbm>> -> memref<2000xf32, #tpu.memory_space<hbm>>
    tpu.wait_dma2 semaphore(%arg22 : memref<!tpu.dma_semaphore, #tpu.memory_space<semaphore_mem>>) src(%arg17 : memref<2000xf32, #tpu.memory_space<vmem>>) dst(%dma_wait3A_35 : memref<2000xf32, #tpu.memory_space<hbm>>)
    return
  }
}

module attributes {stable_mosaic.version = 14 : i64} {
  func.func @body(%arg0: i32, %arg1: memref<2000x128xf32, #tpu.memory_space<vmem>>, %arg2: memref<2000x1xf32, #tpu.memory_space<vmem>>, %arg3: memref<2000x64xi32, #tpu.memory_space<vmem>>) attributes {dimension_semantics = [#tpu.dimension_semantics<arbitrary>], iteration_bounds = array<i64: 5>, scalar_prefetch = 0 : i64, scratch_operands = 0 : i64, tpu.core_type = #tpu.core_type<tc>, window_params = [{transform_indices = @transform_0, window_bounds = array<i64: 2000, 128>}, {transform_indices = @transform_1, window_bounds = array<i64: 2000, 1>}, {transform_indices = @transform_2, window_bounds = array<i64: 2000, 64>}]} {
    %get3A = arith.constant 0 : index
    %get3A_0 = arith.constant 0 : index
    %get3A_1 = vector.load %arg1[%get3A, %get3A_0] : memref<2000x128xf32, #tpu.memory_space<vmem>>, vector<2000x128xf32>
    %mul3A = arith.mulf %get3A_1, %get3A_1 : vector<2000x128xf32>
    %reduce_sum3A = arith.constant dense<0.000000e+00> : vector<2000xf32>
    %reduce_sum3A_2 = vector.multi_reduction <add>, %mul3A, %reduce_sum3A [1] : vector<2000x128xf32> to vector<2000xf32>
    %broadcast_in_dim3A = vector.shape_cast %reduce_sum3A_2 : vector<2000xf32> to vector<2000x1xf32>
    %swap3A = arith.constant 0 : index
    %swap3A_3 = arith.constant 0 : index
    %swap3A_4 = vector.load %arg2[%swap3A, %swap3A_3] : memref<2000x1xf32, #tpu.memory_space<vmem>>, vector<2000x1xf32>
    tpu.vector_store %arg2[%swap3A, %swap3A_3], %broadcast_in_dim3A {strides = array<i32>} : memref<2000x1xf32, #tpu.memory_space<vmem>>, vector<2000x1xf32>,
    %iota3A = tpu.iota {dimensions = array<i32: 0>} : vector<128x64xi32>
    %iota3A_5 = tpu.iota {dimensions = array<i32: 1>} : vector<128x64xi32>
    %mul3A_6 = arith.constant 2 : i32
    %mul3A_7 = vector.broadcast %mul3A_6 : i32 to vector<128x64xi32>
    %mul3A_8 = arith.muli %mul3A_7, %iota3A_5 : vector<128x64xi32>
    %eq3A = arith.cmpi eq, %iota3A, %mul3A_8 : vector<128x64xi32>
    %convert_element_type3A = arith.extui %eq3A : vector<128x64xi1> to vector<128x64xi32>
    %convert_element_type3A_9 = arith.sitofp %convert_element_type3A : vector<128x64xi32> to vector<128x64xf32>
    %mul3A_10 = arith.constant 2 : i32
    %mul3A_11 = vector.broadcast %mul3A_10 : i32 to vector<128x64xi32>
    %mul3A_12 = arith.muli %mul3A_11, %iota3A_5 : vector<128x64xi32>
    %add3A = arith.constant 1 : i32
    %add3A_13 = vector.broadcast %add3A : i32 to vector<128x64xi32>
    %add3A_14 = arith.addi %mul3A_12, %add3A_13 : vector<128x64xi32>
    %eq3A_15 = arith.cmpi eq, %iota3A, %add3A_14 : vector<128x64xi32>
    %convert_element_type3A_16 = arith.extui %eq3A_15 : vector<128x64xi1> to vector<128x64xi32>
    %convert_element_type3A_17 = arith.sitofp %convert_element_type3A_16 : vector<128x64xi32> to vector<128x64xf32>
    %dot_general3A = arith.constant dense<0.000000e+00> : vector<2000x64xf32>
    %dot_general3A_18 = tpu.matmul %get3A_1, %convert_element_type3A_9, %dot_general3A {dimension_numbers = #tpu.dot_dimension_numbers<[1], [0], [0], [1], [0, 0, 1, 1], [], []>, transpose_lhs_hint = false} : vector<2000x128xf32>, vector<128x64xf32>, vector<2000x64xf32> -> vector<2000x64xf32>
    %convert_element_type3A_19 = arith.truncf %dot_general3A_18 : vector<2000x64xf32> to vector<2000x64xbf16>
    %dot_general3A_20 = arith.constant dense<0.000000e+00> : vector<2000x64xf32>
    %dot_general3A_21 = tpu.matmul %get3A_1, %convert_element_type3A_17, %dot_general3A_20 {dimension_numbers = #tpu.dot_dimension_numbers<[1], [0], [0], [1], [0, 0, 1, 1], [], []>, transpose_lhs_hint = false} : vector<2000x128xf32>, vector<128x64xf32>, vector<2000x64xf32> -> vector<2000x64xf32>
    %convert_element_type3A_22 = arith.truncf %dot_general3A_21 : vector<2000x64xf32> to vector<2000x64xbf16>
    %bitcast_convert_type3A = tpu.bitcast %convert_element_type3A_19 : vector<2000x64xbf16> -> vector<2000x64xi16>
    %convert_element_type3A_23 = arith.extui %bitcast_convert_type3A : vector<2000x64xi16> to vector<2000x64xi32>
    %bitcast_convert_type3A_24 = tpu.bitcast %convert_element_type3A_22 : vector<2000x64xbf16> -> vector<2000x64xi16>
    %convert_element_type3A_25 = arith.extui %bitcast_convert_type3A_24 : vector<2000x64xi16> to vector<2000x64xi32>
    %shift_left3A = arith.constant 16 : i32
    %shift_left3A_26 = vector.broadcast %shift_left3A : i32 to vector<2000x64xi32>
    %shift_left3A_27 = arith.shli %convert_element_type3A_25, %shift_left3A_26 : vector<2000x64xi32>
    %or3A = arith.ori %convert_element_type3A_23, %shift_left3A_27 : vector<2000x64xi32>
    %swap3A_28 = arith.constant 0 : index
    %swap3A_29 = arith.constant 0 : index
    %swap3A_30 = vector.load %arg3[%swap3A_28, %swap3A_29] : memref<2000x64xi32, #tpu.memory_space<vmem>>, vector<2000x64xi32>
    tpu.vector_store %arg3[%swap3A_28, %swap3A_29], %or3A {strides = array<i32>} : memref<2000x64xi32, #tpu.memory_space<vmem>>, vector<2000x64xi32>,
    return
  }
  func.func @transform_0(%arg0: i32) -> (i32, i32) {
    %c0_i32 = arith.constant 0 : i32
    %c0_i32_0 = arith.constant 0 : i32
    return %arg0, %c0_i32 : i32, i32
  }
  func.func @transform_1(%arg0: i32) -> (i32, i32) {
    %c0_i32 = arith.constant 0 : i32
    %c0_i32_0 = arith.constant 0 : i32
    return %arg0, %c0_i32 : i32, i32
  }
  func.func @transform_2(%arg0: i32) -> (i32, i32) {
    %c0_i32 = arith.constant 0 : i32
    %c0_i32_0 = arith.constant 0 : i32
    return %arg0, %c0_i32 : i32, i32
  }
}

module attributes {stable_mosaic.version = 14 : i64} {
  func.func @body(%arg0: i32, %arg1: memref<16384xf32, #tpu.memory_space<vmem>>, %arg2: memref<16384xf32, #tpu.memory_space<vmem>>, %arg3: memref<16384xf32, #tpu.memory_space<vmem>>, %arg4: memref<16384xf32, #tpu.memory_space<vmem>>, %arg5: memref<16384xf32, #tpu.memory_space<vmem>>, %arg6: memref<16384xf32, #tpu.memory_space<vmem>>, %arg7: memref<16384xf32, #tpu.memory_space<vmem>>, %arg8: memref<16384xf32, #tpu.memory_space<vmem>>, %arg9: memref<16384xf32, #tpu.memory_space<vmem>>, %arg10: memref<16384xf32, #tpu.memory_space<vmem>>, %arg11: memref<16384xf32, #tpu.memory_space<vmem>>, %arg12: memref<16384xf32, #tpu.memory_space<vmem>>, %arg13: memref<16384xf32, #tpu.memory_space<vmem>>, %arg14: memref<16384xf32, #tpu.memory_space<vmem>>, %arg15: memref<16384xf32, #tpu.memory_space<vmem>>, %arg16: memref<16384xf32, #tpu.memory_space<vmem>>, %arg17: memref<16384xf32, #tpu.memory_space<vmem>>, %arg18: memref<16384xf32, #tpu.memory_space<vmem>>, %arg19: memref<16384xf32, #tpu.memory_space<vmem>>) attributes {dimension_semantics = [#tpu.dimension_semantics<arbitrary>], iteration_bounds = array<i64: 20>, scalar_prefetch = 0 : i64, scratch_operands = 0 : i64, tpu.core_type = #tpu.core_type<tc>, window_params = [{transform_indices = @transform_0, window_bounds = array<i64: 16384>}, {transform_indices = @transform_1, window_bounds = array<i64: 16384>}, {transform_indices = @transform_2, window_bounds = array<i64: 16384>}, {transform_indices = @transform_3, window_bounds = array<i64: 16384>}, {transform_indices = @transform_4, window_bounds = array<i64: 16384>}, {transform_indices = @transform_5, window_bounds = array<i64: 16384>}, {transform_indices = @transform_6, window_bounds = array<i64: 16384>}, {transform_indices = @transform_7, window_bounds = array<i64: 16384>}, {transform_indices = @transform_8, window_bounds = array<i64: 16384>}, {transform_indices = @transform_9, window_bounds = array<i64: 16384>}, {transform_indices = @transform_10, window_bounds = array<i64: 16384>}, {transform_indices = @transform_11, window_bounds = array<i64: 16384>}, {transform_indices = @transform_12, window_bounds = array<i64: 16384>}, {transform_indices = @transform_13, window_bounds = array<i64: 16384>}, {transform_indices = @transform_14, window_bounds = array<i64: 16384>}, {transform_indices = @transform_15, window_bounds = array<i64: 16384>}, {transform_indices = @transform_16, window_bounds = array<i64: 16384>}, {transform_indices = @transform_17, window_bounds = array<i64: 16384>}, {transform_indices = @transform_18, window_bounds = array<i64: 16384>}]} {
    %get3A = arith.constant 0 : index
    %get3A_0 = vector.load %arg17[%get3A] : memref<16384xf32, #tpu.memory_space<vmem>>, vector<16384xf32>
    %get3A_1 = arith.constant 0 : index
    %get3A_2 = vector.load %arg18[%get3A_1] : memref<16384xf32, #tpu.memory_space<vmem>>, vector<16384xf32>
    %get3A_3 = arith.constant 0 : index
    %get3A_4 = vector.load %arg1[%get3A_3] : memref<16384xf32, #tpu.memory_space<vmem>>, vector<16384xf32>
    %get3A_5 = arith.constant 0 : index
    %get3A_6 = vector.load %arg2[%get3A_5] : memref<16384xf32, #tpu.memory_space<vmem>>, vector<16384xf32>
    %add3A = arith.addf %get3A_4, %get3A_6 : vector<16384xf32>
    %get3A_7 = arith.constant 0 : index
    %get3A_8 = vector.load %arg3[%get3A_7] : memref<16384xf32, #tpu.memory_space<vmem>>, vector<16384xf32>
    %add3A_9 = arith.addf %add3A, %get3A_8 : vector<16384xf32>
    %get3A_10 = arith.constant 0 : index
    %get3A_11 = vector.load %arg4[%get3A_10] : memref<16384xf32, #tpu.memory_space<vmem>>, vector<16384xf32>
    %add3A_12 = arith.addf %add3A_9, %get3A_11 : vector<16384xf32>
    %get3A_13 = arith.constant 0 : index
    %get3A_14 = vector.load %arg5[%get3A_13] : memref<16384xf32, #tpu.memory_space<vmem>>, vector<16384xf32>
    %add3A_15 = arith.addf %add3A_12, %get3A_14 : vector<16384xf32>
    %get3A_16 = arith.constant 0 : index
    %get3A_17 = vector.load %arg6[%get3A_16] : memref<16384xf32, #tpu.memory_space<vmem>>, vector<16384xf32>
    %add3A_18 = arith.addf %add3A_15, %get3A_17 : vector<16384xf32>
    %get3A_19 = arith.constant 0 : index
    %get3A_20 = vector.load %arg7[%get3A_19] : memref<16384xf32, #tpu.memory_space<vmem>>, vector<16384xf32>
    %add3A_21 = arith.addf %add3A_18, %get3A_20 : vector<16384xf32>
    %get3A_22 = arith.constant 0 : index
    %get3A_23 = vector.load %arg8[%get3A_22] : memref<16384xf32, #tpu.memory_space<vmem>>, vector<16384xf32>
    %add3A_24 = arith.addf %add3A_21, %get3A_23 : vector<16384xf32>
    %get3A_25 = arith.constant 0 : index
    %get3A_26 = vector.load %arg9[%get3A_25] : memref<16384xf32, #tpu.memory_space<vmem>>, vector<16384xf32>
    %add3A_27 = arith.addf %add3A_24, %get3A_26 : vector<16384xf32>
    %get3A_28 = arith.constant 0 : index
    %get3A_29 = vector.load %arg10[%get3A_28] : memref<16384xf32, #tpu.memory_space<vmem>>, vector<16384xf32>
    %add3A_30 = arith.addf %add3A_27, %get3A_29 : vector<16384xf32>
    %get3A_31 = arith.constant 0 : index
    %get3A_32 = vector.load %arg11[%get3A_31] : memref<16384xf32, #tpu.memory_space<vmem>>, vector<16384xf32>
    %add3A_33 = arith.addf %add3A_30, %get3A_32 : vector<16384xf32>
    %get3A_34 = arith.constant 0 : index
    %get3A_35 = vector.load %arg12[%get3A_34] : memref<16384xf32, #tpu.memory_space<vmem>>, vector<16384xf32>
    %add3A_36 = arith.addf %add3A_33, %get3A_35 : vector<16384xf32>
    %get3A_37 = arith.constant 0 : index
    %get3A_38 = vector.load %arg13[%get3A_37] : memref<16384xf32, #tpu.memory_space<vmem>>, vector<16384xf32>
    %add3A_39 = arith.addf %add3A_36, %get3A_38 : vector<16384xf32>
    %get3A_40 = arith.constant 0 : index
    %get3A_41 = vector.load %arg14[%get3A_40] : memref<16384xf32, #tpu.memory_space<vmem>>, vector<16384xf32>
    %add3A_42 = arith.addf %add3A_39, %get3A_41 : vector<16384xf32>
    %get3A_43 = arith.constant 0 : index
    %get3A_44 = vector.load %arg15[%get3A_43] : memref<16384xf32, #tpu.memory_space<vmem>>, vector<16384xf32>
    %add3A_45 = arith.addf %add3A_42, %get3A_44 : vector<16384xf32>
    %get3A_46 = arith.constant 0 : index
    %get3A_47 = vector.load %arg16[%get3A_46] : memref<16384xf32, #tpu.memory_space<vmem>>, vector<16384xf32>
    %add3A_48 = arith.addf %add3A_45, %get3A_47 : vector<16384xf32>
    %mul3A = arith.constant 2.000000e+00 : f32
    %mul3A_49 = vector.broadcast %mul3A : f32 to vector<16384xf32>
    %mul3A_50 = arith.mulf %mul3A_49, %add3A_48 : vector<16384xf32>
    %sub3A = arith.constant 1.000000e+00 : f32
    %sub3A_51 = vector.broadcast %sub3A : f32 to vector<16384xf32>
    %sub3A_52 = arith.subf %sub3A_51, %mul3A_50 : vector<16384xf32>
    %add3A_53 = arith.addf %sub3A_52, %get3A_2 : vector<16384xf32>
    %sub3A_54 = arith.constant 1.000000e+00 : f32
    %sub3A_55 = vector.broadcast %sub3A_54 : f32 to vector<16384xf32>
    %sub3A_56 = arith.subf %sub3A_55, %get3A_0 : vector<16384xf32>
    %mul3A_57 = arith.mulf %add3A_53, %add3A_53 : vector<16384xf32>
    %mul3A_58 = arith.mulf %mul3A_57, %get3A_0 : vector<16384xf32>
    %mul3A_59 = arith.constant 2.000000e+00 : f32
    %mul3A_60 = vector.broadcast %mul3A_59 : f32 to vector<16384xf32>
    %mul3A_61 = arith.mulf %mul3A_60, %add3A_53 : vector<16384xf32>
    %mul3A_62 = arith.mulf %mul3A_61, %sub3A_56 : vector<16384xf32>
    %mul3A_63 = arith.mulf %mul3A_62, %add3A_48 : vector<16384xf32>
    %sub3A_64 = arith.subf %mul3A_58, %mul3A_63 : vector<16384xf32>
    %mul3A_65 = arith.mulf %sub3A_56, %sub3A_56 : vector<16384xf32>
    %mul3A_66 = arith.mulf %mul3A_65, %get3A_2 : vector<16384xf32>
    %add3A_67 = arith.addf %sub3A_64, %mul3A_66 : vector<16384xf32>
    %mul3A_68 = arith.constant 2.000000e+00 : f32
    %mul3A_69 = vector.broadcast %mul3A_68 : f32 to vector<16384xf32>
    %mul3A_70 = arith.mulf %mul3A_69, %add3A_48 : vector<16384xf32>
    %sub3A_71 = arith.constant 1.000000e+00 : f32
    %sub3A_72 = vector.broadcast %sub3A_71 : f32 to vector<16384xf32>
    %sub3A_73 = arith.subf %sub3A_72, %mul3A_70 : vector<16384xf32>
    %mul3A_74 = arith.mulf %get3A_0, %get3A_2 : vector<16384xf32>
    %add3A_75 = arith.addf %sub3A_73, %mul3A_74 : vector<16384xf32>
    %max3A = arith.constant 1.000000e-15 : f32
    %max3A_76 = vector.broadcast %max3A : f32 to vector<16384xf32>
    %max3A_77 = arith.maximumf %add3A_75, %max3A_76 : vector<16384xf32>
    %mul3A_78 = arith.mulf %max3A_77, %max3A_77 : vector<16384xf32>
    %div3A = arith.divf %add3A_67, %mul3A_78 : vector<16384xf32>
    %max3A_79 = arith.constant 1.000000e-15 : f32
    %max3A_80 = vector.broadcast %max3A_79 : f32 to vector<16384xf32>
    %max3A_81 = arith.maximumf %div3A, %max3A_80 : vector<16384xf32>
    %sqrt3A = math.sqrt %max3A_81 : vector<16384xf32>
    %jit3A = arith.constant -0.999989986 : f32
    %jit3A_82 = arith.constant 0.999989986 : f32
    %max3A_83 = vector.broadcast %jit3A : f32 to vector<16384xf32>
    %max3A_84 = arith.maximumf %max3A_83, %sqrt3A : vector<16384xf32>
    %min3A = vector.broadcast %jit3A_82 : f32 to vector<16384xf32>
    %min3A_85 = arith.minimumf %min3A, %max3A_84 : vector<16384xf32>
    %log1p3A = math.log1p %min3A_85 : vector<16384xf32>
    %neg3A = arith.constant 0.000000e+00 : f32
    %neg3A_86 = vector.broadcast %neg3A : f32 to vector<16384xf32>
    %neg3A_87 = arith.subf %neg3A_86, %min3A_85 : vector<16384xf32>
    %log1p3A_88 = math.log1p %neg3A_87 : vector<16384xf32>
    %sub3A_89 = arith.subf %log1p3A, %log1p3A_88 : vector<16384xf32>
    %mul3A_90 = arith.mulf %sub3A_89, %sub3A_89 : vector<16384xf32>
    %neg3A_91 = arith.constant 0.000000e+00 : f32
    %neg3A_92 = vector.broadcast %neg3A_91 : f32 to vector<16384xf32>
    %neg3A_93 = arith.subf %neg3A_92, %mul3A_90 : vector<16384xf32>
    %swap3A = arith.constant 0 : index
    %swap3A_94 = vector.load %arg19[%swap3A] : memref<16384xf32, #tpu.memory_space<vmem>>, vector<16384xf32>
    tpu.vector_store %arg19[%swap3A], %neg3A_93 {strides = array<i32>} : memref<16384xf32, #tpu.memory_space<vmem>>, vector<16384xf32>,
    return
  }
  func.func @transform_0(%arg0: i32) -> i32 {
    %add3A = arith.constant 0 : i32
    %add3A_0 = arith.addi %add3A, %arg0 : i32
    %c0_i32 = arith.constant 0 : i32
    return %add3A_0 : i32
  }
  func.func @transform_1(%arg0: i32) -> i32 {
    %add3A = arith.constant 20 : i32
    %add3A_0 = arith.addi %add3A, %arg0 : i32
    %c0_i32 = arith.constant 0 : i32
    return %add3A_0 : i32
  }
  func.func @transform_2(%arg0: i32) -> i32 {
    %add3A = arith.constant 40 : i32
    %add3A_0 = arith.addi %add3A, %arg0 : i32
    %c0_i32 = arith.constant 0 : i32
    return %add3A_0 : i32
  }
  func.func @transform_3(%arg0: i32) -> i32 {
    %add3A = arith.constant 60 : i32
    %add3A_0 = arith.addi %add3A, %arg0 : i32
    %c0_i32 = arith.constant 0 : i32
    return %add3A_0 : i32
  }
  func.func @transform_4(%arg0: i32) -> i32 {
    %add3A = arith.constant 80 : i32
    %add3A_0 = arith.addi %add3A, %arg0 : i32
    %c0_i32 = arith.constant 0 : i32
    return %add3A_0 : i32
  }
  func.func @transform_5(%arg0: i32) -> i32 {
    %add3A = arith.constant 100 : i32
    %add3A_0 = arith.addi %add3A, %arg0 : i32
    %c0_i32 = arith.constant 0 : i32
    return %add3A_0 : i32
  }
  func.func @transform_6(%arg0: i32) -> i32 {
    %add3A = arith.constant 120 : i32
    %add3A_0 = arith.addi %add3A, %arg0 : i32
    %c0_i32 = arith.constant 0 : i32
    return %add3A_0 : i32
  }
  func.func @transform_7(%arg0: i32) -> i32 {
    %add3A = arith.constant 140 : i32
    %add3A_0 = arith.addi %add3A, %arg0 : i32
    %c0_i32 = arith.constant 0 : i32
    return %add3A_0 : i32
  }
  func.func @transform_8(%arg0: i32) -> i32 {
    %add3A = arith.constant 160 : i32
    %add3A_0 = arith.addi %add3A, %arg0 : i32
    %c0_i32 = arith.constant 0 : i32
    return %add3A_0 : i32
  }
  func.func @transform_9(%arg0: i32) -> i32 {
    %add3A = arith.constant 180 : i32
    %add3A_0 = arith.addi %add3A, %arg0 : i32
    %c0_i32 = arith.constant 0 : i32
    return %add3A_0 : i32
  }
  func.func @transform_10(%arg0: i32) -> i32 {
    %add3A = arith.constant 200 : i32
    %add3A_0 = arith.addi %add3A, %arg0 : i32
    %c0_i32 = arith.constant 0 : i32
    return %add3A_0 : i32
  }
  func.func @transform_11(%arg0: i32) -> i32 {
    %add3A = arith.constant 220 : i32
    %add3A_0 = arith.addi %add3A, %arg0 : i32
    %c0_i32 = arith.constant 0 : i32
    return %add3A_0 : i32
  }
  func.func @transform_12(%arg0: i32) -> i32 {
    %add3A = arith.constant 240 : i32
    %add3A_0 = arith.addi %add3A, %arg0 : i32
    %c0_i32 = arith.constant 0 : i32
    return %add3A_0 : i32
  }
  func.func @transform_13(%arg0: i32) -> i32 {
    %add3A = arith.constant 260 : i32
    %add3A_0 = arith.addi %add3A, %arg0 : i32
    %c0_i32 = arith.constant 0 : i32
    return %add3A_0 : i32
  }
  func.func @transform_14(%arg0: i32) -> i32 {
    %add3A = arith.constant 280 : i32
    %add3A_0 = arith.addi %add3A, %arg0 : i32
    %c0_i32 = arith.constant 0 : i32
    return %add3A_0 : i32
  }
  func.func @transform_15(%arg0: i32) -> i32 {
    %add3A = arith.constant 300 : i32
    %add3A_0 = arith.addi %add3A, %arg0 : i32
    %c0_i32 = arith.constant 0 : i32
    return %add3A_0 : i32
  }
  func.func @transform_16(%arg0: i32) -> i32 {
    %c0_i32 = arith.constant 0 : i32
    return %arg0 : i32
  }
  func.func @transform_17(%arg0: i32) -> i32 {
    %c0_i32 = arith.constant 0 : i32
    return %arg0 : i32
  }
  func.func @transform_18(%arg0: i32) -> i32 {
    %c0_i32 = arith.constant 0 : i32
    return %arg0 : i32
  }
}

</mosaic_0001>

<sc_bundles>
// kernel: kernel.5.cloned.1.call-start
scs
__scs_entry_jumppad:
0x0: {  	(pc) =	sbr.rel $0x88, $3  }
0x1: {  	(tag) =	ssettag $0x0;
	lr =	simm.s32 $0x1  }
0x2: {  	[smem:$0x3F9F] =	sst lr;
	_ =	strace $0xD0000000  }
0x3: {  	_ = 	snop  }
0x4: {  	_ = 	snop  }
0x5: {  	_ = 	snop  }
0x6: {  	_ = 	snop  }
0x7: {  	_ = 	snop  }
__scs_overlays_trampoline_lowered:
0x8: {  	[smem:$0x3FAE] =	sst s0  }
0x9: {  	[smem:$0x3FAF] =	sst s1  }
0xa: {  	[smem:$0x3FB0] =	sst s2  }
0xb: {  	[smem:$0x3FB1] =	sst s3  }
0xc: {  	[smem:$0x3FB2] =	sst s4  }
0xd: {  	[smem:$0x3FB3] =	sst s5  }
0xe: {  	[smem:$0x3FB4] =	sst s6  }
0xf: {  	[smem:$0x3FB5] =	sst s7  }
0x10: {  	[smem:$0x3FB6] =	sst s8  }
0x11: {  	[smem:$0x3FB7] =	sst s9;
	s0 =	simm.s32 @!p0 $0x0  }
0x12: {  	s1 =	sld [smem:$0x3F9D];
	s0 =	simm.s32 @p0 $0x1  }
0x13: {  	[smem:$0x3FB8] =	sst s0;
	s0 =	simm.s32 @!p1 $0x0  }
0x14: {  	s2 =	sld [smem:$0x3F9C];
	s0 =	simm.s32 @p1 $0x1  }
0x15: {  	[smem:$0x3FB9] =	sst s0;
	s0 =	simm.s32 @!p2 $0x0  }
0x16: {  	s3 =	sld [smem:$0x3FDB];
	s0 =	simm.s32 @p2 $0x1  }
0x17: {  	s4 =	simm.s32 $0x1BF5;
	[smem:$0x3FBB] =	sst s0  }
0x18: {  	s0 =	sld [smem:$0x3F9E];
	_ =	swait.ge [sflag:s4], $0x0  }
0x19: {  	s7 =	sld [smem:$0x3F9F]  }
0x1a: {  	s8 =	sadd.s32 $0xFFFFE003, lr  }
0x1b: {  	s9 =	sadd.s32 $0xFFFFFEF7, lr;
	s5 =	simm.s32 $0xFFFFFFFF;
	p2 =	slt.u32 s8, $0xFFFFF086  }
0x1c: {  	p1 =	slt.u32 s9, $0xF7A;
	s5 =	simm.s32 @!p2 $0x0  }
0x1d: {  	s5 =	simm.s32 @p1 $0x1;
	p0 =	seq.s32 s7, s2  }
0x1e: {  	s7 =	smul.u32 @!p0 $0xF7A, s2;
	p2 =	seq.s32 @!p0 s5, $0x0  }
0x1f: {  	s9 =	smul.u32 $0xF7A, s1;
	s8 =	simm.s32 @!p0 $0x1BF5;
	p2 =	por !p2, p0  }
0x20: {  	[sflag:s8] =	ssyncset.s32 @!p0 $0xFFFFF086;
	s6 =	sadd.s32 @!p0 s3, s7;
	s7 =	simm.s32 @!p0 $0x108  }
0x21: {  	s3 =	sadd.s32 s3, s9;
	s6 =	sadd.s32 @!p0 $0x88, s6;
	s7 =	simm.s32 @p2 $0x1082  }
0x22: {  	[simem:s7], [sflag:s8] =	dma.local @!p0 [hbm:s6], $0xF7A  }
0x23: {  	s9 =	sor.u32 $0xD0000000, s2;
	s6 =	simm.s32 $0x108;
	_ =	swait.ge @!p0 [sflag:s8], $0x0  }
0x24: {  	s3 =	sadd.s32 $0x88, s3;
	s6 =	simm.s32 @!p1 $0x1082;
	[sflag:s4] =	ssyncset.s32 $0xFFFFF086  }
0x25: {  	[simem:s6], [sflag:s4] =	dma.local [hbm:s3], $0xF7A  }
0x26: {  	[smem:$0x3F9F] =	sst s1;
	(tag) =	ssettag s2;
	_ =	strace s9  }
0x27: {  	s1 =	sld [smem:$0x3FAF]  }
0x28: {  	s2 =	sld [smem:$0x3FB0]  }
0x29: {  	s4 =	sld [smem:$0x3FB2]  }
0x2a: {  	p0 =	seq.s32 s5, $0x0;
	s5 =	sld [smem:$0x3FB3]  }
0x2b: {  	s6 =	sld [smem:$0x3FB4]  }
0x2c: {  	s7 =	sld [smem:$0x3FB5]  }
0x2d: {  	s3 =	simm.s32 $0x108;
	s8 =	sld [smem:$0x3FB6]  }
0x2e: {  	s3 =	simm.s32 @!p0 $0x1082;
	s9 =	sld [smem:$0x3FB7]  }
0x2f: {  	lr =	sadd.s32 s0, s3;
	s0 =	sld [smem:$0x3FAE]  }
0x30: {  	s3 =	sld [smem:$0x3FB1]  }
0x31: {  	[smem:$0x3FBA] =	sst s10  }
0x32: {  	s10 =	sld [smem:$0x3FB8];
	_ =	sdelay $0x3  }
0x33: {  	p0 =	seq.s32 s10, $0x1;
	s10 =	sld [smem:$0x3FBA];
	_ =	sdelay $0x3  }
0x34: {  	[smem:$0x3FBA] =	sst s10  }
0x35: {  	s10 =	sld [smem:$0x3FB9];
	_ =	sdelay $0x3  }
0x36: {  	p1 =	seq.s32 s10, $0x1;
	s10 =	sld [smem:$0x3FBA];
	_ =	sdelay $0x3  }
0x37: {  	[smem:$0x3FBA] =	sst s10  }
0x38: {  	s10 =	sld [smem:$0x3FBB]  }
0x39: {  	_ = 	snop;
	(pc) =	sbr.ind lr, $3  }
0x3a: {  	_ = 	snop  }
0x3b: {  	_ = 	snop  }
0x3c: {  	p2 =	seq.s32 s10, $0x1;
	s10 =	sld [smem:$0x3FBA]  }
0x3d: {  	_ =	shalt  }
0x3e: {  	_ =	shalt  }
0x3f: {  	_ =	shalt  }
0x40: {  	_ =	shalt  }
0x41: {  	_ =	shalt  }
0x42: {  	_ =	shalt  }
0x43: {  	_ =	shalt  }
0x44: {  	_ =	shalt  }
0x45: {  	_ =	shalt  }
0x46: {  	_ =	shalt  }
0x47: {  	_ =	shalt  }
0x48: {  	_ =	shalt  }
0x49: {  	_ =	shalt  }
0x4a: {  	_ =	shalt  }
0x4b: {  	_ =	shalt  }
0x4c: {  	_ =	shalt  }
0x4d: {  	_ =	shalt  }
0x4e: {  	_ =	shalt  }
0x4f: {  	_ =	shalt  }
0x50: {  	_ =	shalt  }
0x51: {  	_ =	shalt  }
0x52: {  	_ =	shalt  }
0x53: {  	_ =	shalt  }
0x54: {  	_ =	shalt  }
0x55: {  	_ =	shalt  }
0x56: {  	_ =	shalt  }
0x57: {  	_ =	shalt  }
0x58: {  	_ =	shalt  }
0x59: {  	_ =	shalt  }
0x5a: {  	_ =	shalt  }
0x5b: {  	_ =	shalt  }
0x5c: {  	_ =	shalt  }
0x5d: {  	_ =	shalt  }
0x5e: {  	_ =	shalt  }
0x5f: {  	_ =	shalt  }
0x60: {  	_ =	shalt  }
0x61: {  	_ =	shalt  }
0x62: {  	_ =	shalt  }
0x63: {  	_ =	shalt  }
0x64: {  	_ =	shalt  }
0x65: {  	_ =	shalt  }
0x66: {  	_ =	shalt  }
0x67: {  	_ =	shalt  }
0x68: {  	_ =	shalt  }
0x69: {  	_ =	shalt  }
0x6a: {  	_ =	shalt  }
0x6b: {  	_ =	shalt  }
0x6c: {  	_ =	shalt  }
0x6d: {  	_ =	shalt  }
0x6e: {  	_ =	shalt  }
0x6f: {  	_ =	shalt  }
0x70: {  	_ =	shalt  }
0x71: {  	_ =	shalt  }
0x72: {  	_ =	shalt  }
0x73: {  	_ =	shalt  }
0x74: {  	_ =	shalt  }
0x75: {  	_ =	shalt  }
0x76: {  	_ =	shalt  }
0x77: {  	_ =	shalt  }
0x78: {  	_ =	shalt  }
0x79: {  	_ =	shalt  }
0x7a: {  	_ =	shalt  }
0x7b: {  	_ =	shalt  }
0x7c: {  	_ =	shalt  }
0x7d: {  	_ =	shalt  }
0x7e: {  	_ =	shalt  }
0x7f: {  	_ =	shalt  }
0x80: {  	_ =	shalt  }
0x81: {  	_ =	shalt  }
0x82: {  	_ =	shalt  }
0x83: {  	_ =	shalt  }
0x84: {  	_ =	shalt  }
0x85: {  	_ =	shalt  }
0x86: {  	_ =	shalt  }
0x87: {  	_ =	shalt  }
.Lfunc_end0:
.L_simem_size_0:
called_computation_lowered:
.L_overlay_start_0:
0x88: {  	s2 =	sld [smem:$0x3FD9]  }
0x89: {  	s3 =	sld [smem:$0x3FFE];
	_ =	sdelay $0x1  }
0x8a: {  	s1 =	srdreg.scid  }
0x8b: {  	s0 =	sand.u32 $0x1, s1  }
0x8c: {  	s17 =	sshll.u32 s0, $0xA;
	s2 =	sadd.s32 s3, s2  }
0x8d: {  	s2 =	sadd.s32 s2, s17  }
0x8e: {  	[smem:$0x3FC6] =	sst s2  }
0x8f: {  	_ = 	snop  }
0x90: {  	s2 =	sld [smem:$0x3FD0];
	(tm) =	ssettm $0x1  }
0x91: {  	s18 =	sld [smem:$0x3FFB];
	_ =	sdelay $0x3  }
0x92: {  	_ =	strace s18  }
0x93: {  	s3 =	sld [smem:$0x3FFC];
	_ =	sdelay $0x3  }
0x94: {  	_ =	strace s3  }
0x95: {  	s3 =	sld [smem:$0x3FFD];
	_ =	sdelay $0x3  }
0x96: {  	_ =	strace s3  }
0x97: {  	_ =	strace $0x8FFFFFFF  }
0x98: {  	s19 =	sld [smem:$0x3FDB];
	_ =	sdelay $0x1  }
0x99: {  	s4 =	simm.s32 $_scs_section_size  }
0x9a: {  	s5 =	simm.s32 $_size__tile_overlayer_lowered;
	s6 =	simm.s32 $_tile_overlayer_lowered  }
0x9b: {  	s22 =	simm.s32 $0x1BFF;
	s21 =	sshll.u32 s6, $0x1;
	s3 =	sadd.s32 s4, s19  }
0x9c: {  	s7 =	simm.s32 $0x0;
	s20 =	sshll.u32 s5, $0x1;
	s5 =	sadd.s32 s21, s3  }
0x9d: {  	[timem:s7], [sflag:s22] =	dma.local [hbm:s5], s20  }
0x9e: {  	_ =	swait.ge [sflag:s22], s20  }
0x9f: {  	s4 =	ssub.s32 $0x0, s20;
	[sflag:s22] =	ssyncset.done $0x0  }
0xa0: {  	[sflag:s22] =	ssyncadd.s32 s4;
	_ =	sdelay $0x1  }
0xa1: {  	s23 =	simm.s32 $0x1B8B  }
0xa2: {  	_ =	swait.ge [sflag:s23], $0x1  }
0xa3: {  	[sflag:s23] =	ssyncset.done $0x0  }
0xa4: {  	s25 =	simm.s32 $0x1B8E;
	s24 =	sld [smem:$0x3FFE];
	[sflag:s23] =	ssyncadd.s32 $0xFFFFFFFF  }
0xa5: {  	s26 =	simm.s32 $execute0_lowered;
	[smem:$0x3FD2] =	sst s25  }
0xa6: {  	s5 =	sshll.u32 s26, $0x1;
	_ =	strace $0x80000046;
	[dreg:$0x1] =	wrdreg $0xFFFFFFFF  }
0xa7: {  	s28 =	simm.s32 $_size_execute0_lowered;
	s3 =	sadd.s32 s3, s5;
	[dreg:$0x0] =	wrdreg $0x0  }
0xa8: {  	s5 =	sshll.u32 s28, $0x1;
	[dreg:$0x2] =	wrdreg s3  }
0xa9: {  	[dreg:$0x3] =	wrdreg s5  }
0xaa: {  	[dreg:$0x4] =	wrdreg $0xC0  }
0xab: {  	_ =	task [dreg:s7], $0x5FFFF  }
0xac: {  	[dreg:$0x1] =	wrdreg $0xFFFFFFFF  }
0xad: {  	[dreg:$0x0] =	wrdreg $0x60  }
0xae: {  	[dreg:$0x2] =	wrdreg s24  }
0xaf: {  	[dreg:$0x3] =	wrdreg s2  }
0xb0: {  	[dreg:$0x4] =	wrdreg $0x9  }
0xb1: {  	_ =	task.clear_ibuf [dreg:s7], $0x5FFFF;
	_ =	strace $0x90000046  }
0xb2: {  	s29 =	simm.s32 $0x9;
	_ =	strace $0x80000048  }
0xb3: {  	_ =	swait.ge [sflag:s29], $0x1  }
0xb4: {  	[sflag:s29] =	ssyncadd.s32 $0xFFFFFFFF  }
0xb5: {  	_ =	strace $0x90000048  }
0xb6: {  	_ =	sfence  }
0xb7: {  	s30 =	sld [smem:$0x0];
	_ =	sdelay $0x2  }
0xb8: {  	s31 =	sshll.u32 s1, $0xD;
	s1 =	sshrl.u32 s1, $0x2  }
0xb9: {  	s3 =	sand.u32 $0x4000, s31;
	s1 =	sadd.s32 s1, s30  }
0xba: {  	s0 =	sor.u32 s3, s0;
	s1 =	sshll.u32 s1, $0x11  }
0xbb: {  	s0 =	sor.u32 s1, s0  }
0xbc: {  	s0 =	sadd.s32 $0x8F2B, s0  }
0xbd: {  	[sflag:s0] =	ssyncadd.remote.s32 $0x1  }
0xbe: {  	_ =	sfence.sel $0xFFFF  }
0xbf: {  	[dreg:$0x0] =	wrdreg $0xFFFFFFFF;
	(pc) =	sbr.abs _section_cstart, $3  }
0xc0: {  	[dreg:$0x1] =	wrdreg $0xFFFFFFFF  }
0xc1: {  	_ =	task.clear_ibuf [dreg:s7], $0x2FFFF;
	_ =	strace $0x9FFFFFFF  }
0xc2: {  	(tm) =	ssettm $0x7FFFFFFF  }
0xc3: {  	_ =	shalt  }
tec
execute0_lowered:
.L_overlay_start_1:
0x0: {  	(tag) =	ssettag $0x1  }
0x1: {  	s0 =	rddreg [dreg:$0x0];
	s3 =	simm.s32 $0x0  }
0x2: {  	s1 =	stileid.u32;
	s4 =	srdreg.scid;
	s16 =	simm.s32 $0x9C80  }
0x3: {  	s19 =	simm.s32 $0xCC00;
	s20 =	simm.s32 $0xDC00;
	s21 =	simm.s32 $0x1  }
0x4: {  	s22 =	simm.s32 $0xE400;
	s23 =	simm.s32 $0xF400;
	s24 =	simm.s32 $0xFC00  }
0x5: {  	s25 =	simm.s32 $0x2;
	s30 =	simm.s32 $0x5;
	s31 =	simm.s32 $0x0  }
0x6: {  	[smem:$0x7FF] =	sst s3;
	s2 =	smul.u32 $0x1388, s1;
	s8 =	sand.u32 $0x1, s4  }
0x7: {  	s4 =	sadd.s32 $0xC00, s0;
	s6 =	sadd.s32 $0x3C000, s0;
	s12 =	smul.u32 $0x50000, s1  }
0x8: {  	s7 =	sadd.s32 $0x28000, s0;
	s5 =	smul.u32 $0x27100, s8;
	s9 =	ssub.s32 $0x2, s8  }
0x9: {  	_ =	strace $0x80000047;
	s2 =	sadd.s32 s2, s0;
	s10 =	sshrl.u32 s9, $0x1  }
.Ltmp0:
0xa: {  	s11 =	sshrl.u32 s5, $0x3;
	s2 =	sadd.s32 $0x14600, s2;
	(pc) =	sbr.rel .LBB2_1-.Ltmp0, $4  }
0xb: {  	s26 =	ssub.s32 s9, s10;
	s28 =	sadd.s32 s4, s11;
	[dreg:$0x4] =	wrdreg s2  }
0xc: {  	s8 =	sadd.s32 $0x32000, s0;
	s0 =	smax.u32 s26, $0x1;
	[dreg:$0x3] =	wrdreg s28  }
0xd: {  	s12 =	sadd.s32 s5, s12;
	s29 =	sadd.s32 $0x9C40, s28;
	[dreg:$0x6] =	wrdreg s0  }
0xe: {  	s13 =	sadd.s32 $0xFA0, s5;
	s26 =	simm.s32 $0xEC00;
	[dreg:$0x5] =	wrdreg s29  }
.LBB2_15:
0xf: {  	s0 =	simm.s32 $0x3  }
0x10: {  	_ =	swait.ge [sflag:s0], $0x7D0  }
0x11: {  	[sflag:s0] =	ssyncset.done $0x0  }
0x12: {  	s28 =	simm.s32 $0x4;
	[sflag:s0] =	ssyncadd.s32 $0xFFFFF830  }
0x13: {  	_ =	swait.ge [sflag:s28], $0x7D0  }
0x14: {  	[sflag:s28] =	ssyncset.done $0x0  }
0x15: {  	[sflag:s28] =	ssyncadd.s32 $0xFFFFF830  }
0x16: {  	_ =	swait.ge [sflag:s30], $0x7D0  }
0x17: {  	[sflag:s30] =	ssyncset.done $0x0  }
0x18: {  	[sflag:s30] =	ssyncadd.s32 $0xFFFFF830  }
0x19: {  	_ =	swait.ge [sflag:s30], $0x7D0  }
0x1a: {  	s31 =	sadd.s32 $0x1, s31;
	s29 =	rddreg [dreg:$0x6]  }
0x1b: {  	p0 =	sne.s32 s31, s29  }
.Ltmp1:
0x1c: {  	_ = 	snop;
	(pc) =	sbr.rel @!p0 .LBB2_16-.Ltmp1, $3  }
0x1d: {  	_ =	sdelay $0x1  }
0x1e: {  	[sflag:s30] =	ssyncset.done $0x0  }
0x1f: {  	[sflag:s30] =	ssyncadd.s32 $0xFFFFF830  }
.LBB2_1:
0x20: {  	s0 =	rddreg [dreg:$0x4];
	s2 =	simm.s32 $0x6  }
0x21: {  	[tilespmem:s3], [sflag:$0x6] =	stream.linear.gather [hbm4b:s0+s3], $0x9C40, $0x38;
	[tilespmem:$0x10400] =	vst v63  }
0x22: {  	_ =	swait.ge [sflag:s2], $0x9C40  }
0x23: {  	[sflag:s2] =	ssyncset.done $0x0  }
0x24: {  	[sflag:s2] =	ssyncadd.s32 $0xFFFF63C0  }
0x25: {  	s15 =	rddreg [dreg:$0x1]  }
0x26: {  	[tilespmem:s16], [sflag:$0x6] =	stream.linear.gather [hbm4b:s15+s3], $0x2780, $0x38;
	[tilespmem:$0x10400] =	vst v63  }
0x27: {  	_ =	swait.ge [sflag:s2], $0x2780  }
.Ltmp2:
0x28: {  	[sflag:s2] =	ssyncset.done $0x0;
	(pc) =	sbr.rel .LBB2_2-.Ltmp2, $4  }
0x29: {  	s18 =	simm.s32 $0xC400;
	s17 =	rddreg [dreg:$0x3];
	[sflag:s2] =	ssyncadd.s32 $0xFFFFD880  }
0x2a: {  	[tilespmem:s18], [sflag:$0x1] =	stream.linear.gather [hbm4b:s17+s3], $0x7D0, $0x38;
	[tilespmem:$0x10400] =	vst v63  }
0x2b: {  	s29 =	simm.s32 $0xD400;
	s0 =	simm.s32 $0x0;
	s28 =	rddreg [dreg:$0x5]  }
0x2c: {  	[tilespmem:s29], [sflag:$0x1] =	stream.linear.gather [hbm4b:s28+s3], $0x7D0, $0x38;
	[tilespmem:$0x10400] =	vst v63  }
.LBB2_14:
0x2d: {  	s0 =	sadd.s32 $0x1, s0  }
0x2e: {  	p0 =	sne.s32 s0, $0x28  }
.Ltmp3:
0x2f: {  	_ = 	snop;
	(pc) =	sbr.rel @!p0 .LBB2_15-.Ltmp3, $1  }
0x30: {  	_ =	sdelay $0x3  }
.LBB2_2:
0x31: {  	s17 =	sshllo.u32 s0, $0x1  }
0x32: {  	s18 =	smul.u32 $0x7D0, s17;
	_ =	sdelay $0x1  }
0x33: {  	s2 =	sadd.s32 s5, s18  }
0x34: {  	s2 =	sshrl.u32 s2, $0x3  }
0x35: {  	s9 =	sadd.s32 s4, s2  }
0x36: {  	[tilespmem:s19], [sflag:$0x2] =	stream.linear.gather [hbm4b:s9+s3], $0x7D0, $0x38;
	[tilespmem:$0x10400] =	vst v63  }
0x37: {  	s9 =	sadd.s32 $0x9C40, s9  }
0x38: {  	[tilespmem:s20], [sflag:$0x2] =	stream.linear.gather [hbm4b:s9+s3], $0x7D0, $0x38;
	[tilespmem:$0x10400] =	vst v63  }
0x39: {  	_ =	swait.ge [sflag:s21], $0x7D0  }
0x3a: {  	[sflag:s21] =	ssyncset.done $0x0  }
0x3b: {  	[sflag:s21] =	ssyncadd.s32 $0xFFFFF830  }
0x3c: {  	_ =	swait.ge [sflag:s21], $0x7D0  }
0x3d: {  	p1 =	seq.s32 s0, $0x0;
	[sflag:s21] =	ssyncset.done $0x0  }
0x3e: {  	s10 =	smul.u32 $0xFA0, s0;
	s9 =	simm.s32 @!p1 $0x3;
	[sflag:s21] =	ssyncadd.s32 $0xFFFFF830  }
0x3f: {  	s14 =	sshll.u32 s0, $0x1;
	s28 =	simm.s32 $0xC420;
	_ =	swait.ge @!p1 [sflag:s9], $0x7D0  }
0x40: {  	s29 =	simm.s32 $0xD420;
	s15 =	simm.s32 $0xE420;
	[sflag:s9] =	ssyncset.done @!p1 $0x0  }
0x41: {  	s11 =	sadd.s32 s5, s10;
	[sflag:s9] =	ssyncadd.s32 @!p1 $0xFFFFF830;
	s9 =	simm.s32 $0xFFFFFFFB  }
.LBB2_3:
0x42: {  	v0 =	vld [tilespmem:s28+$0xFFFFFFE0]  }
0x43: {  	v1 =	vld [tilespmem:s29+$0xFFFFFFE0];
	_ =	sdelay $0x3  }
0x44: {  	v2 =	vadd.s32 $0x2710, v0  }
0x45: {  	v3 =	vadd.s32 $0x2710, v1;
	_ =	sdelay $0x1  }
0x46: {  	v6 =	vadd.s32 $0x4E20, v0;
	v4 =	vld.idx.msk [tilespmem:v0+s3+$0x0], $0xffff  }
0x47: {  	v7 =	vadd.s32 $0x4E20, v1;
	v5 =	vld.idx.msk [tilespmem:v1+s3+$0x0], $0xffff  }
0x48: {  	v2 =	vld.idx.msk [tilespmem:v2+s3+$0x0], $0xffff  }
0x49: {  	v0 =	vadd.s32 $0x7530, v0;
	v3 =	vld.idx.msk [tilespmem:v3+s3+$0x0], $0xffff  }
0x4a: {  	v1 =	vadd.s32 $0x7530, v1  }
0x4b: {  	v6 =	vld.idx.msk [tilespmem:v6+s3+$0x0], $0xffff;
	v8 =	vunpack.i.u.bf16.f32 v4  }
0x4c: {  	v29 =	vld.idx.msk [tilespmem:v7+s3+$0x0], $0xffff;
	v4 =	vunpack.i.l.bf16.f32 v4;
	v9 =	vunpack.i.u.bf16.f32 v5;
	v5 =	vunpack.i.l.bf16.f32 v5  }
0x4d: {  	v4 =	vmul.f32 v5, v4;
	v25 =	vmul.f32 v9, v8;
	v26 =	vunpack.i.u.bf16.f32 v2  }
0x4e: {  	v0 =	vld.idx.msk [tilespmem:v0+s3+$0x0], $0xffff;
	v2 =	vunpack.i.l.bf16.f32 v2;
	v27 =	vunpack.i.u.bf16.f32 v3;
	v3 =	vunpack.i.l.bf16.f32 v3  }
0x4f: {  	v1 =	vld.idx.msk [tilespmem:v1+s3+$0x0], $0xffff;
	v4 =	vadd.f32 v4, v25;
	v2 =	vmul.f32 v3, v2;
	v28 =	vmul.f32 v27, v26  }
0x50: {  	v30 =	vunpack.i.u.bf16.f32 v6  }
0x51: {  	v32 =	vunpack.i.u.bf16.f32 v29;
	v4 =	vadd.f32 $0.0e+00, v4;
	v2 =	vadd.f32 v2, v28  }
0x52: {  	v31 =	vunpack.i.l.bf16.f32 v6;
	v5 =	vunpack.i.l.bf16.f32 v29;
	v3 =	vmul.f32 v32, v30  }
0x53: {  	v33 =	vunpack.i.u.bf16.f32 v0;
	v2 =	vadd.f32 v2, v4;
	v4 =	vmul.f32 v5, v31  }
0x54: {  	v0 =	vunpack.i.l.bf16.f32 v0;
	v34 =	vunpack.i.u.bf16.f32 v1;
	v1 =	vunpack.i.l.bf16.f32 v1  }
0x55: {  	v0 =	vmul.f32 v1, v0;
	v35 =	vmul.f32 v34, v33;
	v3 =	vadd.f32 v4, v3;
	_ =	sdelay $0x1  }
0x56: {  	v0 =	vadd.f32 v0, v35;
	v2 =	vadd.f32 v3, v2;
	_ =	sdelay $0x1  }
0x57: {  	v0 =	vadd.f32 v0, v2;
	_ =	sdelay $0x1  }
0x58: {  	[tilespmem:s15+$0xFFFFFFE0] =	vst v0  }
0x59: {  	v0 =	vld [tilespmem:s28+$0xFFFFFFF0]  }
0x5a: {  	v36 =	vld [tilespmem:s29+$0xFFFFFFF0];
	_ =	sdelay $0x3  }
0x5b: {  	v37 =	vadd.s32 $0x2710, v0  }
0x5c: {  	v38 =	vadd.s32 $0x2710, v36;
	_ =	sdelay $0x1  }
0x5d: {  	v41 =	vadd.s32 $0x4E20, v0;
	v39 =	vld.idx.msk [tilespmem:v0+s3+$0x0], $0xffff  }
0x5e: {  	v42 =	vadd.s32 $0x4E20, v36;
	v40 =	vld.idx.msk [tilespmem:v36+s3+$0x0], $0xffff  }
0x5f: {  	v1 =	vadd.s32 $0x7530, v36;
	v2 =	vld.idx.msk [tilespmem:v37+s3+$0x0], $0xffff  }
0x60: {  	v3 =	vld.idx.msk [tilespmem:v38+s3+$0x0], $0xffff  }
0x61: {  	v0 =	vadd.s32 $0x7530, v0  }
0x62: {  	v6 =	vld.idx.msk [tilespmem:v41+s3+$0x0], $0xffff;
	v43 =	vunpack.i.u.bf16.f32 v39  }
0x63: {  	v49 =	vld.idx.msk [tilespmem:v42+s3+$0x0], $0xffff;
	v4 =	vunpack.i.l.bf16.f32 v39;
	v44 =	vunpack.i.u.bf16.f32 v40;
	v5 =	vunpack.i.l.bf16.f32 v40  }
0x64: {  	v1 =	vld.idx.msk [tilespmem:v1+s3+$0x0], $0xffff;
	v4 =	vmul.f32 v5, v4;
	v45 =	vmul.f32 v44, v43;
	v46 =	vunpack.i.u.bf16.f32 v2  }
0x65: {  	v2 =	vunpack.i.l.bf16.f32 v2;
	v47 =	vunpack.i.u.bf16.f32 v3;
	v3 =	vunpack.i.l.bf16.f32 v3  }
0x66: {  	v0 =	vld.idx.msk [tilespmem:v0+s3+$0x0], $0xffff;
	v4 =	vadd.f32 v4, v45;
	v2 =	vmul.f32 v3, v2;
	v48 =	vmul.f32 v47, v46  }
0x67: {  	v50 =	vunpack.i.u.bf16.f32 v6  }
0x68: {  	v51 =	vunpack.i.l.bf16.f32 v6;
	v4 =	vadd.f32 $0.0e+00, v4;
	v2 =	vadd.f32 v2, v48  }
0x69: {  	v52 =	vunpack.i.u.bf16.f32 v49;
	v5 =	vunpack.i.l.bf16.f32 v49;
	v54 =	vunpack.i.u.bf16.f32 v1  }
0x6a: {  	v3 =	vmul.f32 v52, v50;
	v2 =	vadd.f32 v2, v4;
	v4 =	vmul.f32 v5, v51  }
0x6b: {  	v1 =	vunpack.i.l.bf16.f32 v1;
	v53 =	vunpack.i.u.bf16.f32 v0;
	v0 =	vunpack.i.l.bf16.f32 v0  }
0x6c: {  	v0 =	vmul.f32 v1, v0;
	v55 =	vmul.f32 v54, v53;
	v3 =	vadd.f32 v4, v3;
	_ =	sdelay $0x1  }
0x6d: {  	v0 =	vadd.f32 v0, v55;
	v2 =	vadd.f32 v3, v2;
	_ =	sdelay $0x1  }
0x6e: {  	v0 =	vadd.f32 v0, v2;
	_ =	sdelay $0x1  }
0x6f: {  	[tilespmem:s15+$0xFFFFFFF0] =	vst v0  }
0x70: {  	v0 =	vld [tilespmem:s28+$0x0]  }
0x71: {  	v56 =	vld [tilespmem:s29+$0x0];
	_ =	sdelay $0x3  }
0x72: {  	v57 =	vadd.s32 $0x2710, v0  }
0x73: {  	v58 =	vadd.s32 $0x2710, v56;
	_ =	sdelay $0x1  }
0x74: {  	v61 =	vadd.s32 $0x4E20, v0;
	v59 =	vld.idx.msk [tilespmem:v0+s3+$0x0], $0xffff  }
0x75: {  	v62 =	vadd.s32 $0x4E20, v56;
	v60 =	vld.idx.msk [tilespmem:v56+s3+$0x0], $0xffff  }
0x76: {  	v1 =	vadd.s32 $0x7530, v56;
	v2 =	vld.idx.msk [tilespmem:v57+s3+$0x0], $0xffff  }
0x77: {  	v3 =	vld.idx.msk [tilespmem:v58+s3+$0x0], $0xffff  }
0x78: {  	v0 =	vadd.s32 $0x7530, v0  }
0x79: {  	v6 =	vld.idx.msk [tilespmem:v61+s3+$0x0], $0xffff;
	v63 =	vunpack.i.u.bf16.f32 v59  }
0x7a: {  	v17 =	vld.idx.msk [tilespmem:v62+s3+$0x0], $0xffff;
	v4 =	vunpack.i.l.bf16.f32 v59;
	v12 =	vunpack.i.u.bf16.f32 v60;
	v5 =	vunpack.i.l.bf16.f32 v60  }
0x7b: {  	v1 =	vld.idx.msk [tilespmem:v1+s3+$0x0], $0xffff;
	v4 =	vmul.f32 v5, v4;
	v13 =	vmul.f32 v12, v63;
	v14 =	vunpack.i.u.bf16.f32 v2  }
0x7c: {  	v2 =	vunpack.i.l.bf16.f32 v2;
	v15 =	vunpack.i.u.bf16.f32 v3;
	v3 =	vunpack.i.l.bf16.f32 v3  }
0x7d: {  	v0 =	vld.idx.msk [tilespmem:v0+s3+$0x0], $0xffff;
	v4 =	vadd.f32 v4, v13;
	v2 =	vmul.f32 v3, v2;
	v16 =	vmul.f32 v15, v14  }
0x7e: {  	v18 =	vunpack.i.u.bf16.f32 v6  }
0x7f: {  	v19 =	vunpack.i.l.bf16.f32 v6;
	v4 =	vadd.f32 $0.0e+00, v4;
	v2 =	vadd.f32 v2, v16  }
0x80: {  	v20 =	vunpack.i.u.bf16.f32 v17;
	v5 =	vunpack.i.l.bf16.f32 v17;
	v22 =	vunpack.i.u.bf16.f32 v1  }
0x81: {  	v3 =	vmul.f32 v20, v18;
	v2 =	vadd.f32 v2, v4;
	v4 =	vmul.f32 v5, v19  }
0x82: {  	v1 =	vunpack.i.l.bf16.f32 v1;
	v21 =	vunpack.i.u.bf16.f32 v0;
	v0 =	vunpack.i.l.bf16.f32 v0  }
0x83: {  	v0 =	vmul.f32 v1, v0;
	v23 =	vmul.f32 v22, v21;
	v3 =	vadd.f32 v4, v3;
	_ =	sdelay $0x1  }
0x84: {  	v0 =	vadd.f32 v0, v23;
	v2 =	vadd.f32 v3, v2;
	_ =	sdelay $0x1  }
0x85: {  	v0 =	vadd.f32 v0, v2;
	_ =	sdelay $0x1  }
0x86: {  	[tilespmem:s15+$0x0] =	vst v0  }
0x87: {  	v0 =	vld [tilespmem:s28+$0x10]  }
0x88: {  	v24 =	vld [tilespmem:s29+$0x10];
	_ =	sdelay $0x3  }
0x89: {  	v25 =	vadd.s32 $0x2710, v0  }
0x8a: {  	v26 =	vadd.s32 $0x2710, v24;
	_ =	sdelay $0x1  }
0x8b: {  	v29 =	vadd.s32 $0x4E20, v0;
	v27 =	vld.idx.msk [tilespmem:v0+s3+$0x0], $0xffff  }
0x8c: {  	v30 =	vadd.s32 $0x4E20, v24;
	v28 =	vld.idx.msk [tilespmem:v24+s3+$0x0], $0xffff  }
0x8d: {  	v1 =	vadd.s32 $0x7530, v24;
	v2 =	vld.idx.msk [tilespmem:v25+s3+$0x0], $0xffff  }
0x8e: {  	v3 =	vld.idx.msk [tilespmem:v26+s3+$0x0], $0xffff  }
0x8f: {  	v0 =	vadd.s32 $0x7530, v0  }
0x90: {  	v6 =	vld.idx.msk [tilespmem:v29+s3+$0x0], $0xffff;
	v31 =	vunpack.i.u.bf16.f32 v27  }
0x91: {  	v37 =	vld.idx.msk [tilespmem:v30+s3+$0x0], $0xffff;
	v4 =	vunpack.i.l.bf16.f32 v27;
	v32 =	vunpack.i.u.bf16.f32 v28;
	v5 =	vunpack.i.l.bf16.f32 v28  }
0x92: {  	v1 =	vld.idx.msk [tilespmem:v1+s3+$0x0], $0xffff;
	v4 =	vmul.f32 v5, v4;
	v33 =	vmul.f32 v32, v31;
	v34 =	vunpack.i.u.bf16.f32 v2  }
0x93: {  	v2 =	vunpack.i.l.bf16.f32 v2;
	v35 =	vunpack.i.u.bf16.f32 v3;
	v3 =	vunpack.i.l.bf16.f32 v3  }
0x94: {  	v0 =	vld.idx.msk [tilespmem:v0+s3+$0x0], $0xffff;
	v4 =	vadd.f32 v4, v33;
	v2 =	vmul.f32 v3, v2;
	v36 =	vmul.f32 v35, v34  }
0x95: {  	v38 =	vunpack.i.u.bf16.f32 v6  }
0x96: {  	v39 =	vunpack.i.l.bf16.f32 v6;
	v4 =	vadd.f32 $0.0e+00, v4;
	v2 =	vadd.f32 v2, v36  }
0x97: {  	v40 =	vunpack.i.u.bf16.f32 v37;
	v5 =	vunpack.i.l.bf16.f32 v37;
	v42 =	vunpack.i.u.bf16.f32 v1  }
0x98: {  	v3 =	vmul.f32 v40, v38;
	v2 =	vadd.f32 v2, v4;
	v4 =	vmul.f32 v5, v39  }
0x99: {  	v1 =	vunpack.i.l.bf16.f32 v1;
	v41 =	vunpack.i.u.bf16.f32 v0;
	v0 =	vunpack.i.l.bf16.f32 v0  }
0x9a: {  	v0 =	vmul.f32 v1, v0;
	v43 =	vmul.f32 v42, v41;
	v3 =	vadd.f32 v4, v3;
	_ =	sdelay $0x1  }
0x9b: {  	v0 =	vadd.f32 v0, v43;
	v2 =	vadd.f32 v3, v2;
	_ =	sdelay $0x1  }
0x9c: {  	v0 =	vadd.f32 v0, v2;
	_ =	sdelay $0x1  }
0x9d: {  	[tilespmem:s15+$0x10] =	vst v0  }
0x9e: {  	v0 =	vld [tilespmem:s28+$0x20]  }
0x9f: {  	v44 =	vld [tilespmem:s29+$0x20];
	_ =	sdelay $0x3  }
0xa0: {  	v45 =	vadd.s32 $0x2710, v0  }
0xa1: {  	v46 =	vadd.s32 $0x2710, v44;
	_ =	sdelay $0x1  }
0xa2: {  	v49 =	vadd.s32 $0x4E20, v0;
	v47 =	vld.idx.msk [tilespmem:v0+s3+$0x0], $0xffff  }
0xa3: {  	v50 =	vadd.s32 $0x4E20, v44;
	v48 =	vld.idx.msk [tilespmem:v44+s3+$0x0], $0xffff  }
0xa4: {  	v1 =	vadd.s32 $0x7530, v44;
	v2 =	vld.idx.msk [tilespmem:v45+s3+$0x0], $0xffff  }
0xa5: {  	v3 =	vld.idx.msk [tilespmem:v46+s3+$0x0], $0xffff  }
0xa6: {  	v0 =	vadd.s32 $0x7530, v0  }
0xa7: {  	v6 =	vld.idx.msk [tilespmem:v49+s3+$0x0], $0xffff;
	v51 =	vunpack.i.u.bf16.f32 v47  }
0xa8: {  	v57 =	vld.idx.msk [tilespmem:v50+s3+$0x0], $0xffff;
	v4 =	vunpack.i.l.bf16.f32 v47;
	v52 =	vunpack.i.u.bf16.f32 v48;
	v5 =	vunpack.i.l.bf16.f32 v48  }
0xa9: {  	v1 =	vld.idx.msk [tilespmem:v1+s3+$0x0], $0xffff;
	v4 =	vmul.f32 v5, v4;
	v53 =	vmul.f32 v52, v51;
	v54 =	vunpack.i.u.bf16.f32 v2  }
0xaa: {  	v2 =	vunpack.i.l.bf16.f32 v2;
	v55 =	vunpack.i.u.bf16.f32 v3;
	v3 =	vunpack.i.l.bf16.f32 v3  }
0xab: {  	v0 =	vld.idx.msk [tilespmem:v0+s3+$0x0], $0xffff;
	v4 =	vadd.f32 v4, v53;
	v2 =	vmul.f32 v3, v2;
	v56 =	vmul.f32 v55, v54  }
0xac: {  	v58 =	vunpack.i.u.bf16.f32 v6  }
0xad: {  	v59 =	vunpack.i.l.bf16.f32 v6;
	v4 =	vadd.f32 $0.0e+00, v4;
	v2 =	vadd.f32 v2, v56  }
0xae: {  	v60 =	vunpack.i.u.bf16.f32 v57;
	v5 =	vunpack.i.l.bf16.f32 v57;
	v62 =	vunpack.i.u.bf16.f32 v1  }
0xaf: {  	v3 =	vmul.f32 v60, v58;
	v2 =	vadd.f32 v2, v4;
	v4 =	vmul.f32 v5, v59  }
0xb0: {  	v1 =	vunpack.i.l.bf16.f32 v1;
	v61 =	vunpack.i.u.bf16.f32 v0;
	v0 =	vunpack.i.l.bf16.f32 v0  }
0xb1: {  	s9 =	sadd.s32 $0x5, s9;
	v0 =	vmul.f32 v1, v0;
	v63 =	vmul.f32 v62, v61;
	v3 =	vadd.f32 v4, v3  }
0xb2: {  	p0 =	slt.u32 s9, $0x78  }
.Ltmp4:
0xb3: {  	v0 =	vadd.f32 v0, v63;
	v2 =	vadd.f32 v3, v2;
	(pc) =	sbr.rel @p0 .LBB2_3-.Ltmp4, $3  }
0xb4: {  	_ = 	snop  }
0xb5: {  	v0 =	vadd.f32 v0, v2;
	_ =	sdelay $0x1  }
0xb6: {  	s28 =	sadd.s32 $0x50, s28;
	s29 =	sadd.s32 $0x50, s29;
	[tilespmem:s15+$0x20] =	vst v0;
	s15 =	sadd.s32 $0x50, s15  }
0xb7: {  	s29 =	sand.u32 $0xE, s14  }
0xb8: {  	p2 =	sne.s32 s29, s1  }
.Ltmp5:
0xb9: {  	_ = 	snop;
	(pc) =	sbr.rel @p2 .LBB2_8-.Ltmp5, $4  }
0xba: {  	s9 =	sadd.s32 s12, s10  }
0xbb: {  	s9 =	sshrl.u32 s9, $0x3  }
0xbc: {  	p0 =	slt.u32 s0, $0x8;
	s9 =	sadd.s32 s6, s9  }
0xbd: {  	[hbm4b:s9+s3] =	stream.linear.scatter [tilespmem:s22], [sflag:$0x3], $0x7D0, $0x38;
	[tilespmem:$0x10400] =	vst v63  }
0xbe: {  	s9 =	simm.s32 @!p0 $0x5  }
0xbf: {  	_ =	swait.ge @!p0 [sflag:s9], $0x7D0  }
0xc0: {  	[sflag:s9] =	ssyncset.done @!p0 $0x0  }
0xc1: {  	[sflag:s9] =	ssyncadd.s32 @!p0 $0xFFFFF830  }
0xc2: {  	s14 =	simm.s32 $0xC420;
	_ =	swait.ge @!p0 [sflag:s9], $0x7D0  }
0xc3: {  	s15 =	simm.s32 $0xD420;
	s28 =	simm.s32 $0xF420;
	[sflag:s9] =	ssyncset.done @!p0 $0x0  }
0xc4: {  	s29 =	simm.s32 $0xFC20;
	[sflag:s9] =	ssyncadd.s32 @!p0 $0xFFFFF830;
	s9 =	simm.s32 $0xFFFFFFFB  }
.LBB2_6:
0xc5: {  	v0 =	vld [tilespmem:s14+$0xFFFFFFE0];
	_ =	sdelay $0x5  }
0xc6: {  	v1 =	vld [tilespmem:s15+$0xFFFFFFE0];
	_ =	sdelay $0x1  }
0xc7: {  	v0 =	vld.idx.msk [tilespmem:v0+s16+$0x0], $0xffff;
	_ =	sdelay $0x4  }
0xc8: {  	[tilespmem:s28+$0xFFFFFFE0] =	vst v0  }
0xc9: {  	v0 =	vld.idx.msk [tilespmem:v1+s16+$0x0], $0xffff;
	_ =	sdelay $0x4  }
0xca: {  	[tilespmem:s29+$0xFFFFFFE0] =	vst v0  }
0xcb: {  	v0 =	vld [tilespmem:s14+$0xFFFFFFF0];
	_ =	sdelay $0x5  }
0xcc: {  	v60 =	vld [tilespmem:s15+$0xFFFFFFF0];
	_ =	sdelay $0x1  }
0xcd: {  	v0 =	vld.idx.msk [tilespmem:v0+s16+$0x0], $0xffff;
	_ =	sdelay $0x4  }
0xce: {  	[tilespmem:s28+$0xFFFFFFF0] =	vst v0  }
0xcf: {  	v0 =	vld.idx.msk [tilespmem:v60+s16+$0x0], $0xffff;
	_ =	sdelay $0x4  }
0xd0: {  	[tilespmem:s29+$0xFFFFFFF0] =	vst v0  }
0xd1: {  	v0 =	vld [tilespmem:s14+$0x0];
	_ =	sdelay $0x5  }
0xd2: {  	v61 =	vld [tilespmem:s15+$0x0];
	_ =	sdelay $0x1  }
0xd3: {  	v0 =	vld.idx.msk [tilespmem:v0+s16+$0x0], $0xffff;
	_ =	sdelay $0x4  }
0xd4: {  	[tilespmem:s28+$0x0] =	vst v0  }
0xd5: {  	v0 =	vld.idx.msk [tilespmem:v61+s16+$0x0], $0xffff;
	_ =	sdelay $0x4  }
0xd6: {  	[tilespmem:s29+$0x0] =	vst v0  }
0xd7: {  	v0 =	vld [tilespmem:s14+$0x10];
	_ =	sdelay $0x5  }
0xd8: {  	v62 =	vld [tilespmem:s15+$0x10];
	_ =	sdelay $0x1  }
0xd9: {  	v0 =	vld.idx.msk [tilespmem:v0+s16+$0x0], $0xffff;
	_ =	sdelay $0x4  }
0xda: {  	[tilespmem:s28+$0x10] =	vst v0  }
0xdb: {  	v0 =	vld.idx.msk [tilespmem:v62+s16+$0x0], $0xffff;
	_ =	sdelay $0x4  }
0xdc: {  	[tilespmem:s29+$0x10] =	vst v0  }
0xdd: {  	v0 =	vld [tilespmem:s14+$0x20];
	_ =	sdelay $0x5  }
0xde: {  	v63 =	vld [tilespmem:s15+$0x20];
	_ =	sdelay $0x1  }
0xdf: {  	v0 =	vld.idx.msk [tilespmem:v0+s16+$0x0], $0xffff;
	_ =	sdelay $0x4  }
0xe0: {  	s9 =	sadd.s32 $0x5, s9;
	[tilespmem:s28+$0x20] =	vst v0  }
0xe1: {  	p2 =	slt.u32 s9, $0x78;
	v0 =	vld.idx.msk [tilespmem:v63+s16+$0x0], $0xffff  }
.Ltmp6:
0xe2: {  	_ = 	snop;
	(pc) =	sbr.rel @p2 .LBB2_6-.Ltmp6, $3  }
0xe3: {  	_ =	sdelay $0x1  }
0xe4: {  	s14 =	sadd.s32 $0x50, s14  }
0xe5: {  	s15 =	sadd.s32 $0x50, s15;
	s28 =	sadd.s32 $0x50, s28;
	[tilespmem:s29+$0x20] =	vst v0;
	s29 =	sadd.s32 $0x50, s29  }
0xe6: {  	s9 =	sshrl.u32 s11, $0x3  }
0xe7: {  	s11 =	sadd.s32 s7, s9  }
0xe8: {  	[hbm4b:s11+s3] =	stream.linear.scatter [tilespmem:s23], [sflag:$0x5], $0x7D0, $0x38;
	[tilespmem:$0x10400] =	vst v63  }
0xe9: {  	s9 =	sadd.s32 s8, s9  }
0xea: {  	[hbm4b:s9+s3] =	stream.linear.scatter [tilespmem:s24], [sflag:$0x5], $0x7D0, $0x38;
	[tilespmem:$0x10400] =	vst v63  }
.LBB2_8:
0xeb: {  	p2 =	seq.s32 s0, $0x27  }
0xec: {  	s9 =	sadd.s32 @!p2 s10, s13  }
0xed: {  	s9 =	sshrl.u32 @!p2 s9, $0x3  }
0xee: {  	s10 =	simm.s32 @!p2 $0x0;
	s11 =	simm.s32 @!p2 $0xC400;
	s9 =	sadd.s32 @!p2 s4, s9  }
0xef: {  	[tilespmem:s11], [sflag:$0x1] =	stream.linear.gather @!p2 [hbm4b:s9+s10], $0x7D0, $0x38;
	[tilespmem:$0x10400] =	vst v63  }
0xf0: {  	s9 =	sadd.s32 @!p2 $0x9C40, s9;
	s11 =	simm.s32 @!p2 $0xD400  }
0xf1: {  	[tilespmem:s11], [sflag:$0x1] =	stream.linear.gather @!p2 [hbm4b:s9+s10], $0x7D0, $0x38;
	[tilespmem:$0x10400] =	vst v63  }
0xf2: {  	_ =	swait.ge [sflag:s25], $0x7D0  }
0xf3: {  	[sflag:s25] =	ssyncset.done $0x0  }
0xf4: {  	[sflag:s25] =	ssyncadd.s32 $0xFFFFF830  }
0xf5: {  	_ =	swait.ge [sflag:s25], $0x7D0  }
0xf6: {  	[sflag:s25] =	ssyncset.done $0x0  }
0xf7: {  	s9 =	simm.s32 @!p1 $0x4;
	[sflag:s25] =	ssyncadd.s32 $0xFFFFF830  }
0xf8: {  	_ =	swait.ge @!p1 [sflag:s9], $0x7D0  }
0xf9: {  	s14 =	simm.s32 $0xEC20;
	s10 =	simm.s32 $0xCC20;
	[sflag:s9] =	ssyncset.done @!p1 $0x0  }
0xfa: {  	s11 =	simm.s32 $0xDC20;
	[sflag:s9] =	ssyncadd.s32 @!p1 $0xFFFFF830;
	s9 =	simm.s32 $0xFFFFFFFB  }
.LBB2_9:
0xfb: {  	v0 =	vld [tilespmem:s10+$0xFFFFFFE0]  }
0xfc: {  	v1 =	vld [tilespmem:s11+$0xFFFFFFE0];
	_ =	sdelay $0x3  }
0xfd: {  	v2 =	vadd.s32 $0x2710, v0  }
0xfe: {  	v3 =	vadd.s32 $0x2710, v1;
	_ =	sdelay $0x1  }
0xff: {  	v6 =	vadd.s32 $0x4E20, v0;
	v4 =	vld.idx.msk [tilespmem:v0+s3+$0x0], $0xffff  }
0x100: {  	v7 =	vadd.s32 $0x4E20, v1;
	v5 =	vld.idx.msk [tilespmem:v1+s3+$0x0], $0xffff  }
0x101: {  	v2 =	vld.idx.msk [tilespmem:v2+s3+$0x0], $0xffff  }
0x102: {  	v0 =	vadd.s32 $0x7530, v0;
	v3 =	vld.idx.msk [tilespmem:v3+s3+$0x0], $0xffff  }
0x103: {  	v1 =	vadd.s32 $0x7530, v1  }
0x104: {  	v6 =	vld.idx.msk [tilespmem:v6+s3+$0x0], $0xffff;
	v8 =	vunpack.i.u.bf16.f32 v4  }
0x105: {  	v29 =	vld.idx.msk [tilespmem:v7+s3+$0x0], $0xffff;
	v4 =	vunpack.i.l.bf16.f32 v4;
	v9 =	vunpack.i.u.bf16.f32 v5;
	v5 =	vunpack.i.l.bf16.f32 v5  }
0x106: {  	v4 =	vmul.f32 v5, v4;
	v25 =	vmul.f32 v9, v8;
	v26 =	vunpack.i.u.bf16.f32 v2  }
0x107: {  	v0 =	vld.idx.msk [tilespmem:v0+s3+$0x0], $0xffff;
	v2 =	vunpack.i.l.bf16.f32 v2;
	v27 =	vunpack.i.u.bf16.f32 v3;
	v3 =	vunpack.i.l.bf16.f32 v3  }
0x108: {  	v1 =	vld.idx.msk [tilespmem:v1+s3+$0x0], $0xffff;
	v4 =	vadd.f32 v4, v25;
	v2 =	vmul.f32 v3, v2;
	v28 =	vmul.f32 v27, v26  }
0x109: {  	v30 =	vunpack.i.u.bf16.f32 v6  }
0x10a: {  	v32 =	vunpack.i.u.bf16.f32 v29;
	v4 =	vadd.f32 $0.0e+00, v4;
	v2 =	vadd.f32 v2, v28  }
0x10b: {  	v31 =	vunpack.i.l.bf16.f32 v6;
	v5 =	vunpack.i.l.bf16.f32 v29;
	v3 =	vmul.f32 v32, v30  }
0x10c: {  	v33 =	vunpack.i.u.bf16.f32 v0;
	v2 =	vadd.f32 v2, v4;
	v4 =	vmul.f32 v5, v31  }
0x10d: {  	v0 =	vunpack.i.l.bf16.f32 v0;
	v34 =	vunpack.i.u.bf16.f32 v1;
	v1 =	vunpack.i.l.bf16.f32 v1  }
0x10e: {  	v0 =	vmul.f32 v1, v0;
	v35 =	vmul.f32 v34, v33;
	v3 =	vadd.f32 v4, v3;
	_ =	sdelay $0x1  }
0x10f: {  	v0 =	vadd.f32 v0, v35;
	v2 =	vadd.f32 v3, v2;
	_ =	sdelay $0x1  }
0x110: {  	v0 =	vadd.f32 v0, v2;
	_ =	sdelay $0x1  }
0x111: {  	[tilespmem:s14+$0xFFFFFFE0] =	vst v0  }
0x112: {  	v0 =	vld [tilespmem:s10+$0xFFFFFFF0]  }
0x113: {  	v36 =	vld [tilespmem:s11+$0xFFFFFFF0];
	_ =	sdelay $0x3  }
0x114: {  	v37 =	vadd.s32 $0x2710, v0  }
0x115: {  	v38 =	vadd.s32 $0x2710, v36;
	_ =	sdelay $0x1  }
0x116: {  	v41 =	vadd.s32 $0x4E20, v0;
	v39 =	vld.idx.msk [tilespmem:v0+s3+$0x0], $0xffff  }
0x117: {  	v42 =	vadd.s32 $0x4E20, v36;
	v40 =	vld.idx.msk [tilespmem:v36+s3+$0x0], $0xffff  }
0x118: {  	v1 =	vadd.s32 $0x7530, v36;
	v2 =	vld.idx.msk [tilespmem:v37+s3+$0x0], $0xffff  }
0x119: {  	v3 =	vld.idx.msk [tilespmem:v38+s3+$0x0], $0xffff  }
0x11a: {  	v0 =	vadd.s32 $0x7530, v0  }
0x11b: {  	v6 =	vld.idx.msk [tilespmem:v41+s3+$0x0], $0xffff;
	v43 =	vunpack.i.u.bf16.f32 v39  }
0x11c: {  	v49 =	vld.idx.msk [tilespmem:v42+s3+$0x0], $0xffff;
	v4 =	vunpack.i.l.bf16.f32 v39;
	v44 =	vunpack.i.u.bf16.f32 v40;
	v5 =	vunpack.i.l.bf16.f32 v40  }
0x11d: {  	v1 =	vld.idx.msk [tilespmem:v1+s3+$0x0], $0xffff;
	v4 =	vmul.f32 v5, v4;
	v45 =	vmul.f32 v44, v43;
	v46 =	vunpack.i.u.bf16.f32 v2  }
0x11e: {  	v2 =	vunpack.i.l.bf16.f32 v2;
	v47 =	vunpack.i.u.bf16.f32 v3;
	v3 =	vunpack.i.l.bf16.f32 v3  }
0x11f: {  	v0 =	vld.idx.msk [tilespmem:v0+s3+$0x0], $0xffff;
	v4 =	vadd.f32 v4, v45;
	v2 =	vmul.f32 v3, v2;
	v48 =	vmul.f32 v47, v46  }
0x120: {  	v50 =	vunpack.i.u.bf16.f32 v6  }
0x121: {  	v51 =	vunpack.i.l.bf16.f32 v6;
	v4 =	vadd.f32 $0.0e+00, v4;
	v2 =	vadd.f32 v2, v48  }
0x122: {  	v52 =	vunpack.i.u.bf16.f32 v49;
	v5 =	vunpack.i.l.bf16.f32 v49;
	v54 =	vunpack.i.u.bf16.f32 v1  }
0x123: {  	v3 =	vmul.f32 v52, v50;
	v2 =	vadd.f32 v2, v4;
	v4 =	vmul.f32 v5, v51  }
0x124: {  	v1 =	vunpack.i.l.bf16.f32 v1;
	v53 =	vunpack.i.u.bf16.f32 v0;
	v0 =	vunpack.i.l.bf16.f32 v0  }
0x125: {  	v0 =	vmul.f32 v1, v0;
	v55 =	vmul.f32 v54, v53;
	v3 =	vadd.f32 v4, v3;
	_ =	sdelay $0x1  }
0x126: {  	v0 =	vadd.f32 v0, v55;
	v2 =	vadd.f32 v3, v2;
	_ =	sdelay $0x1  }
0x127: {  	v0 =	vadd.f32 v0, v2;
	_ =	sdelay $0x1  }
0x128: {  	[tilespmem:s14+$0xFFFFFFF0] =	vst v0  }
0x129: {  	v0 =	vld [tilespmem:s10+$0x0]  }
0x12a: {  	v56 =	vld [tilespmem:s11+$0x0];
	_ =	sdelay $0x3  }
0x12b: {  	v57 =	vadd.s32 $0x2710, v0  }
0x12c: {  	v58 =	vadd.s32 $0x2710, v56;
	_ =	sdelay $0x1  }
0x12d: {  	v61 =	vadd.s32 $0x4E20, v0;
	v59 =	vld.idx.msk [tilespmem:v0+s3+$0x0], $0xffff  }
0x12e: {  	v62 =	vadd.s32 $0x4E20, v56;
	v60 =	vld.idx.msk [tilespmem:v56+s3+$0x0], $0xffff  }
0x12f: {  	v1 =	vadd.s32 $0x7530, v56;
	v2 =	vld.idx.msk [tilespmem:v57+s3+$0x0], $0xffff  }
0x130: {  	v3 =	vld.idx.msk [tilespmem:v58+s3+$0x0], $0xffff  }
0x131: {  	v0 =	vadd.s32 $0x7530, v0  }
0x132: {  	v6 =	vld.idx.msk [tilespmem:v61+s3+$0x0], $0xffff;
	v63 =	vunpack.i.u.bf16.f32 v59  }
0x133: {  	v17 =	vld.idx.msk [tilespmem:v62+s3+$0x0], $0xffff;
	v4 =	vunpack.i.l.bf16.f32 v59;
	v12 =	vunpack.i.u.bf16.f32 v60;
	v5 =	vunpack.i.l.bf16.f32 v60  }
0x134: {  	v1 =	vld.idx.msk [tilespmem:v1+s3+$0x0], $0xffff;
	v4 =	vmul.f32 v5, v4;
	v13 =	vmul.f32 v12, v63;
	v14 =	vunpack.i.u.bf16.f32 v2  }
0x135: {  	v2 =	vunpack.i.l.bf16.f32 v2;
	v15 =	vunpack.i.u.bf16.f32 v3;
	v3 =	vunpack.i.l.bf16.f32 v3  }
0x136: {  	v0 =	vld.idx.msk [tilespmem:v0+s3+$0x0], $0xffff;
	v4 =	vadd.f32 v4, v13;
	v2 =	vmul.f32 v3, v2;
	v16 =	vmul.f32 v15, v14  }
0x137: {  	v18 =	vunpack.i.u.bf16.f32 v6  }
0x138: {  	v19 =	vunpack.i.l.bf16.f32 v6;
	v4 =	vadd.f32 $0.0e+00, v4;
	v2 =	vadd.f32 v2, v16  }
0x139: {  	v20 =	vunpack.i.u.bf16.f32 v17;
	v5 =	vunpack.i.l.bf16.f32 v17;
	v22 =	vunpack.i.u.bf16.f32 v1  }
0x13a: {  	v3 =	vmul.f32 v20, v18;
	v2 =	vadd.f32 v2, v4;
	v4 =	vmul.f32 v5, v19  }
0x13b: {  	v1 =	vunpack.i.l.bf16.f32 v1;
	v21 =	vunpack.i.u.bf16.f32 v0;
	v0 =	vunpack.i.l.bf16.f32 v0  }
0x13c: {  	v0 =	vmul.f32 v1, v0;
	v23 =	vmul.f32 v22, v21;
	v3 =	vadd.f32 v4, v3;
	_ =	sdelay $0x1  }
0x13d: {  	v0 =	vadd.f32 v0, v23;
	v2 =	vadd.f32 v3, v2;
	_ =	sdelay $0x1  }
0x13e: {  	v0 =	vadd.f32 v0, v2;
	_ =	sdelay $0x1  }
0x13f: {  	[tilespmem:s14+$0x0] =	vst v0  }
0x140: {  	v0 =	vld [tilespmem:s10+$0x10]  }
0x141: {  	v24 =	vld [tilespmem:s11+$0x10];
	_ =	sdelay $0x3  }
0x142: {  	v25 =	vadd.s32 $0x2710, v0  }
0x143: {  	v26 =	vadd.s32 $0x2710, v24;
	_ =	sdelay $0x1  }
0x144: {  	v29 =	vadd.s32 $0x4E20, v0;
	v27 =	vld.idx.msk [tilespmem:v0+s3+$0x0], $0xffff  }
0x145: {  	v30 =	vadd.s32 $0x4E20, v24;
	v28 =	vld.idx.msk [tilespmem:v24+s3+$0x0], $0xffff  }
0x146: {  	v1 =	vadd.s32 $0x7530, v24;
	v2 =	vld.idx.msk [tilespmem:v25+s3+$0x0], $0xffff  }
0x147: {  	v3 =	vld.idx.msk [tilespmem:v26+s3+$0x0], $0xffff  }
0x148: {  	v0 =	vadd.s32 $0x7530, v0  }
0x149: {  	v6 =	vld.idx.msk [tilespmem:v29+s3+$0x0], $0xffff;
	v31 =	vunpack.i.u.bf16.f32 v27  }
0x14a: {  	v37 =	vld.idx.msk [tilespmem:v30+s3+$0x0], $0xffff;
	v4 =	vunpack.i.l.bf16.f32 v27;
	v32 =	vunpack.i.u.bf16.f32 v28;
	v5 =	vunpack.i.l.bf16.f32 v28  }
0x14b: {  	v1 =	vld.idx.msk [tilespmem:v1+s3+$0x0], $0xffff;
	v4 =	vmul.f32 v5, v4;
	v33 =	vmul.f32 v32, v31;
	v34 =	vunpack.i.u.bf16.f32 v2  }
0x14c: {  	v2 =	vunpack.i.l.bf16.f32 v2;
	v35 =	vunpack.i.u.bf16.f32 v3;
	v3 =	vunpack.i.l.bf16.f32 v3  }
0x14d: {  	v0 =	vld.idx.msk [tilespmem:v0+s3+$0x0], $0xffff;
	v4 =	vadd.f32 v4, v33;
	v2 =	vmul.f32 v3, v2;
	v36 =	vmul.f32 v35, v34  }
0x14e: {  	v38 =	vunpack.i.u.bf16.f32 v6  }
0x14f: {  	v39 =	vunpack.i.l.bf16.f32 v6;
	v4 =	vadd.f32 $0.0e+00, v4;
	v2 =	vadd.f32 v2, v36  }
0x150: {  	v40 =	vunpack.i.u.bf16.f32 v37;
	v5 =	vunpack.i.l.bf16.f32 v37;
	v42 =	vunpack.i.u.bf16.f32 v1  }
0x151: {  	v3 =	vmul.f32 v40, v38;
	v2 =	vadd.f32 v2, v4;
	v4 =	vmul.f32 v5, v39  }
0x152: {  	v1 =	vunpack.i.l.bf16.f32 v1;
	v41 =	vunpack.i.u.bf16.f32 v0;
	v0 =	vunpack.i.l.bf16.f32 v0  }
0x153: {  	v0 =	vmul.f32 v1, v0;
	v43 =	vmul.f32 v42, v41;
	v3 =	vadd.f32 v4, v3;
	_ =	sdelay $0x1  }
0x154: {  	v0 =	vadd.f32 v0, v43;
	v2 =	vadd.f32 v3, v2;
	_ =	sdelay $0x1  }
0x155: {  	v0 =	vadd.f32 v0, v2;
	_ =	sdelay $0x1  }
0x156: {  	[tilespmem:s14+$0x10] =	vst v0  }
0x157: {  	v0 =	vld [tilespmem:s10+$0x20]  }
0x158: {  	v44 =	vld [tilespmem:s11+$0x20];
	_ =	sdelay $0x3  }
0x159: {  	v45 =	vadd.s32 $0x2710, v0  }
0x15a: {  	v46 =	vadd.s32 $0x2710, v44;
	_ =	sdelay $0x1  }
0x15b: {  	v49 =	vadd.s32 $0x4E20, v0;
	v47 =	vld.idx.msk [tilespmem:v0+s3+$0x0], $0xffff  }
0x15c: {  	v50 =	vadd.s32 $0x4E20, v44;
	v48 =	vld.idx.msk [tilespmem:v44+s3+$0x0], $0xffff  }
0x15d: {  	v1 =	vadd.s32 $0x7530, v44;
	v2 =	vld.idx.msk [tilespmem:v45+s3+$0x0], $0xffff  }
0x15e: {  	v3 =	vld.idx.msk [tilespmem:v46+s3+$0x0], $0xffff  }
0x15f: {  	v0 =	vadd.s32 $0x7530, v0  }
0x160: {  	v6 =	vld.idx.msk [tilespmem:v49+s3+$0x0], $0xffff;
	v51 =	vunpack.i.u.bf16.f32 v47  }
0x161: {  	v57 =	vld.idx.msk [tilespmem:v50+s3+$0x0], $0xffff;
	v4 =	vunpack.i.l.bf16.f32 v47;
	v52 =	vunpack.i.u.bf16.f32 v48;
	v5 =	vunpack.i.l.bf16.f32 v48  }
0x162: {  	v1 =	vld.idx.msk [tilespmem:v1+s3+$0x0], $0xffff;
	v4 =	vmul.f32 v5, v4;
	v53 =	vmul.f32 v52, v51;
	v54 =	vunpack.i.u.bf16.f32 v2  }
0x163: {  	v2 =	vunpack.i.l.bf16.f32 v2;
	v55 =	vunpack.i.u.bf16.f32 v3;
	v3 =	vunpack.i.l.bf16.f32 v3  }
0x164: {  	v0 =	vld.idx.msk [tilespmem:v0+s3+$0x0], $0xffff;
	v4 =	vadd.f32 v4, v53;
	v2 =	vmul.f32 v3, v2;
	v56 =	vmul.f32 v55, v54  }
0x165: {  	v58 =	vunpack.i.u.bf16.f32 v6  }
0x166: {  	v59 =	vunpack.i.l.bf16.f32 v6;
	v4 =	vadd.f32 $0.0e+00, v4;
	v2 =	vadd.f32 v2, v56  }
0x167: {  	v60 =	vunpack.i.u.bf16.f32 v57;
	v5 =	vunpack.i.l.bf16.f32 v57;
	v62 =	vunpack.i.u.bf16.f32 v1  }
0x168: {  	v3 =	vmul.f32 v60, v58;
	v2 =	vadd.f32 v2, v4;
	v4 =	vmul.f32 v5, v59  }
0x169: {  	v1 =	vunpack.i.l.bf16.f32 v1;
	v61 =	vunpack.i.u.bf16.f32 v0;
	v0 =	vunpack.i.l.bf16.f32 v0  }
0x16a: {  	s9 =	sadd.s32 $0x5, s9;
	v0 =	vmul.f32 v1, v0;
	v63 =	vmul.f32 v62, v61;
	v3 =	vadd.f32 v4, v3  }
0x16b: {  	p1 =	slt.u32 s9, $0x78  }
.Ltmp7:
0x16c: {  	v0 =	vadd.f32 v0, v63;
	v2 =	vadd.f32 v3, v2;
	(pc) =	sbr.rel @p1 .LBB2_9-.Ltmp7, $3  }
0x16d: {  	_ = 	snop  }
0x16e: {  	v0 =	vadd.f32 v0, v2;
	_ =	sdelay $0x1  }
0x16f: {  	s10 =	sadd.s32 $0x50, s10;
	s11 =	sadd.s32 $0x50, s11;
	[tilespmem:s14+$0x20] =	vst v0;
	s14 =	sadd.s32 $0x50, s14  }
0x170: {  	s29 =	sand.u32 $0xF, s17  }
0x171: {  	p1 =	sne.s32 s29, s1  }
.Ltmp8:
0x172: {  	_ = 	snop;
	(pc) =	sbr.rel @p1 .LBB2_14-.Ltmp8, $4  }
0x173: {  	s9 =	sadd.s32 s12, s18  }
0x174: {  	s9 =	sshrl.u32 s9, $0x3  }
0x175: {  	s9 =	sadd.s32 s6, s9  }
0x176: {  	[hbm4b:s9+s3] =	stream.linear.scatter [tilespmem:s26], [sflag:$0x4], $0x7D0, $0x38;
	[tilespmem:$0x10400] =	vst v63  }
0x177: {  	s9 =	simm.s32 @!p0 $0x5  }
0x178: {  	_ =	swait.ge @!p0 [sflag:s9], $0x7D0  }
0x179: {  	[sflag:s9] =	ssyncset.done @!p0 $0x0  }
0x17a: {  	[sflag:s9] =	ssyncadd.s32 @!p0 $0xFFFFF830  }
0x17b: {  	s10 =	simm.s32 $0xCC20;
	_ =	swait.ge @!p0 [sflag:s9], $0x7D0  }
0x17c: {  	s11 =	simm.s32 $0xDC20;
	s14 =	simm.s32 $0xF420;
	[sflag:s9] =	ssyncset.done @!p0 $0x0  }
0x17d: {  	s15 =	simm.s32 $0xFC20;
	[sflag:s9] =	ssyncadd.s32 @!p0 $0xFFFFF830;
	s9 =	simm.s32 $0xFFFFFFFB  }
.LBB2_12:
0x17e: {  	v0 =	vld [tilespmem:s10+$0xFFFFFFE0];
	_ =	sdelay $0x5  }
0x17f: {  	v1 =	vld [tilespmem:s11+$0xFFFFFFE0];
	_ =	sdelay $0x1  }
0x180: {  	v0 =	vld.idx.msk [tilespmem:v0+s16+$0x0], $0xffff;
	_ =	sdelay $0x4  }
0x181: {  	[tilespmem:s14+$0xFFFFFFE0] =	vst v0  }
0x182: {  	v0 =	vld.idx.msk [tilespmem:v1+s16+$0x0], $0xffff;
	_ =	sdelay $0x4  }
0x183: {  	[tilespmem:s15+$0xFFFFFFE0] =	vst v0  }
0x184: {  	v0 =	vld [tilespmem:s10+$0xFFFFFFF0];
	_ =	sdelay $0x5  }
0x185: {  	v60 =	vld [tilespmem:s11+$0xFFFFFFF0];
	_ =	sdelay $0x1  }
0x186: {  	v0 =	vld.idx.msk [tilespmem:v0+s16+$0x0], $0xffff;
	_ =	sdelay $0x4  }
0x187: {  	[tilespmem:s14+$0xFFFFFFF0] =	vst v0  }
0x188: {  	v0 =	vld.idx.msk [tilespmem:v60+s16+$0x0], $0xffff;
	_ =	sdelay $0x4  }
0x189: {  	[tilespmem:s15+$0xFFFFFFF0] =	vst v0  }
0x18a: {  	v0 =	vld [tilespmem:s10+$0x0];
	_ =	sdelay $0x5  }
0x18b: {  	v61 =	vld [tilespmem:s11+$0x0];
	_ =	sdelay $0x1  }
0x18c: {  	v0 =	vld.idx.msk [tilespmem:v0+s16+$0x0], $0xffff;
	_ =	sdelay $0x4  }
0x18d: {  	[tilespmem:s14+$0x0] =	vst v0  }
0x18e: {  	v0 =	vld.idx.msk [tilespmem:v61+s16+$0x0], $0xffff;
	_ =	sdelay $0x4  }
0x18f: {  	[tilespmem:s15+$0x0] =	vst v0  }
0x190: {  	v0 =	vld [tilespmem:s10+$0x10];
	_ =	sdelay $0x5  }
0x191: {  	v62 =	vld [tilespmem:s11+$0x10];
	_ =	sdelay $0x1  }
0x192: {  	v0 =	vld.idx.msk [tilespmem:v0+s16+$0x0], $0xffff;
	_ =	sdelay $0x4  }
0x193: {  	[tilespmem:s14+$0x10] =	vst v0  }
0x194: {  	v0 =	vld.idx.msk [tilespmem:v62+s16+$0x0], $0xffff;
	_ =	sdelay $0x4  }
0x195: {  	[tilespmem:s15+$0x10] =	vst v0  }
0x196: {  	v0 =	vld [tilespmem:s10+$0x20];
	_ =	sdelay $0x5  }
0x197: {  	v63 =	vld [tilespmem:s11+$0x20];
	_ =	sdelay $0x1  }
0x198: {  	v0 =	vld.idx.msk [tilespmem:v0+s16+$0x0], $0xffff;
	_ =	sdelay $0x4  }
0x199: {  	s9 =	sadd.s32 $0x5, s9;
	[tilespmem:s14+$0x20] =	vst v0  }
0x19a: {  	p0 =	slt.u32 s9, $0x78;
	v0 =	vld.idx.msk [tilespmem:v63+s16+$0x0], $0xffff  }
.Ltmp9:
0x19b: {  	_ = 	snop;
	(pc) =	sbr.rel @p0 .LBB2_12-.Ltmp9, $3  }
0x19c: {  	_ =	sdelay $0x1  }
0x19d: {  	s10 =	sadd.s32 $0x50, s10  }
0x19e: {  	s11 =	sadd.s32 $0x50, s11;
	s14 =	sadd.s32 $0x50, s14;
	[tilespmem:s15+$0x20] =	vst v0;
	s15 =	sadd.s32 $0x50, s15  }
.Ltmp10:
0x19f: {  	(pc) =	sbr.rel .LBB2_14-.Ltmp10, $4  }
0x1a0: {  	s9 =	sadd.s32 s7, s2  }
0x1a1: {  	[hbm4b:s9+s3] =	stream.linear.scatter [tilespmem:s23], [sflag:$0x5], $0x7D0, $0x38;
	[tilespmem:$0x10400] =	vst v63  }
0x1a2: {  	s29 =	sadd.s32 s8, s2  }
0x1a3: {  	[hbm4b:s29+s3] =	stream.linear.scatter [tilespmem:s24], [sflag:$0x5], $0x7D0, $0x38;
	[tilespmem:$0x10400] =	vst v63  }
.LBB2_16:
0x1a4: {  	_ =	sfence.sel $0x180000  }
0x1a5: {  	[bflag:$0x0] =	sbarrier.arrive $0xFFFF  }
0x1a6: {  	_ =	strace $0x90000047  }
0x1a7: {  	[bflag:$0x2] =	sbarrier.arrive $0xFFFF  }
0x1a8: {  	p0 =	sne.s32 s1, $0x0;
	s0 =	rddreg [dreg:$0x2]  }
0x1a9: {  	s0 =	sadd.s32 @!p0 $0x100000, s0  }
0x1aa: {  	[sflag:s0] =	ssyncadd.tile.s32 @!p0 $0x1;
	_ =	shalt  }
.Lfunc_end2:
_tile_overlayer_lowered:
.L_overlay_start_2:
0x1ab: {  	(tag) =	ssettag $0x2  }
0x1ac: {  	s0 =	rddreg [dreg:$0x0];
	s2 =	stileid.u32  }
0x1ad: {  	s1 =	rddreg [dreg:$0x1];
	p0 =	sne.s32 s2, $0x0  }
0x1ae: {  	s3 =	rddreg [dreg:$0x2];
	[bflag:$0x3] =	sbarrier.arrive $0xFFFF;
	s2 =	simm.s32 @!p0 $0x1C06  }
0x1af: {  	[timem:s3], [sflag:s2] =	dma.local @!p0 [hbm:s0], s1  }
0x1b0: {  	s0 =	simm.s32 @!p0 $0x6  }
0x1b1: {  	_ =	swait.ge @!p0 [sflag:s0], s1  }
0x1b2: {  	s1 =	ssub.s32 @!p0 $0x0, s1;
	[sflag:s0] =	ssyncset.done @!p0 $0x0  }
0x1b3: {  	[sflag:s0] =	ssyncadd.s32 @!p0 s1  }
0x1b4: {  	[bflag:$0x3] =	sbarrier.arrive $0xFFFF  }
0x1b5: {  	_ =	shalt  }

</sc_bundles>
